<compile_context>
chip_gen: v7x
topology: tpu7x:2x2x1
jax: 0.10.2.dev20260603
libtpu: 0.0.44.dev20260713+nightly
codegen_flags: <defaults>
</compile_context>

<pallas_src>
import functools

import jax
import jax.numpy as jnp
from jax import lax
from jax.experimental import pallas as pl
from jax.experimental.pallas import tpu as pltpu
from jax.experimental.pallas import tpu_sc as plsc

_B = 16384
_ED = 256
_HD = 512
_CD = 256
_K = 8192
_BETA = 0.25

_BB = 256
_NBLK = _B // _BB

_NW = 32
_BPW = _B // _NW
_CHUNK = 128
_NCHUNK = _BPW // _CHUNK


def _enc_vq_body(subj_ref, rel_ref, obj_ref, w1_ref, b1_ref, w2_ref, b2_ref,
                 w3_ref, b3_ref, cb_ref, z_ref, codes_ref, cbsq_ref):
    @pl.when(pl.program_id(0) == 0)
    def _():
        cb = cb_ref[...]
        ones = jnp.ones((1, _CD), jnp.float32)
        cbsq_ref[...] = lax.dot_general(ones, cb * cb,
                                        (((1,), (1,)), ((), ())))

    pv = jnp.concatenate([subj_ref[...], rel_ref[...], obj_ref[...]], axis=1)
    h = jnp.maximum(jnp.dot(pv, w1_ref[...]) + b1_ref[...], 0.0)
    h = jnp.maximum(jnp.dot(h, w2_ref[...]) + b2_ref[...], 0.0)
    z = jnp.dot(h, w3_ref[...]) + b3_ref[...]
    z_ref[...] = z

    z_sq = jnp.sum(z * z, axis=1, keepdims=True)
    zc = lax.dot_general(z, cb_ref[...], (((1,), (1,)), ((), ())))
    dist = (z_sq + cbsq_ref[...]) - 2.0 * zc

    m = jnp.min(dist, axis=1, keepdims=True)
    ids = lax.broadcasted_iota(jnp.int32, dist.shape, 1)
    codes = jnp.min(jnp.where(dist == m, ids, jnp.int32(_K)), axis=1)
    codes_ref[0, 0, :] = codes


def _dec_body(zq_ref, z_ref, w1_ref, b1_ref, w2_ref, b2_ref, w3_ref, b3_ref,
              s_ref, r_ref, o_ref, sse_ref):
    zq = zq_ref[...]
    z = z_ref[...]
    d = zq - z
    part = jnp.sum(d * d)

    @pl.when(pl.program_id(0) == 0)
    def _():
        sse_ref[...] = jnp.zeros((1, 1), jnp.float32)

    sse_ref[...] += jnp.reshape(part, (1, 1))

    zq_st = z + d
    h = jnp.maximum(jnp.dot(zq_st, w1_ref[...]) + b1_ref[...], 0.0)
    h = jnp.maximum(jnp.dot(h, w2_ref[...]) + b2_ref[...], 0.0)
    p = jnp.dot(h, w3_ref[...]) + b3_ref[...]
    s_ref[...] = p[:, :_ED]
    r_ref[...] = p[:, _ED:2 * _ED]
    o_ref[...] = p[:, 2 * _ED:]


def _sc_gather_fn():
    mesh = plsc.VectorSubcoreMesh(core_axis_name="c", subcore_axis_name="s")

    @functools.partial(
        pl.kernel,
        mesh=mesh,
        out_type=jax.ShapeDtypeStruct((_B, _CD), jnp.float32),
        scratch_types=[
            pltpu.VMEM((_NCHUNK, _CHUNK), jnp.int32),
            pltpu.VMEM((_CHUNK, _CD), jnp.float32),
            pltpu.VMEM((_CHUNK, _CD), jnp.float32),
            pltpu.SemaphoreType.DMA,
            pltpu.SemaphoreType.DMA,
        ],
    )
    def gather(cb_hbm, codes_hbm, out_hbm, idx_v, buf0, buf1, sem0, sem1):
        wid = lax.axis_index("s") * 2 + lax.axis_index("c")
        base = wid * _BPW
        for c in range(_NCHUNK):
            pltpu.sync_copy(codes_hbm.at[pl.ds(base + c * _CHUNK, _CHUNK)],
                            idx_v.at[c])
        bufs = (buf0, buf1)
        sems = (sem0, sem1)
        for c in range(_NCHUNK):
            buf = bufs[c % 2]
            pltpu.async_copy(cb_hbm.at[idx_v.at[c]], buf, sems[c % 2]).wait()
            pltpu.sync_copy(buf, out_hbm.at[pl.ds(base + c * _CHUNK, _CHUNK)])

    return gather


def _enc_vq_call(subj, rel, obj, w1, b1, w2, b2, w3, b3, cb):
    return pl.pallas_call(
        _enc_vq_body,
        grid=(_NBLK,),
        in_specs=[
            pl.BlockSpec((_BB, _ED), lambda i: (i, 0)),
            pl.BlockSpec((_BB, _ED), lambda i: (i, 0)),
            pl.BlockSpec((_BB, _ED), lambda i: (i, 0)),
            pl.BlockSpec((3 * _ED, _HD), lambda i: (0, 0)),
            pl.BlockSpec((1, _HD), lambda i: (0, 0)),
            pl.BlockSpec((_HD, _HD), lambda i: (0, 0)),
            pl.BlockSpec((1, _HD), lambda i: (0, 0)),
            pl.BlockSpec((_HD, _CD), lambda i: (0, 0)),
            pl.BlockSpec((1, _CD), lambda i: (0, 0)),
            pl.BlockSpec((_K, _CD), lambda i: (0, 0)),
        ],
        out_specs=[
            pl.BlockSpec((_BB, _CD), lambda i: (i, 0)),
            pl.BlockSpec((1, 1, _BB), lambda i: (i, 0, 0)),
        ],
        out_shape=[
            jax.ShapeDtypeStruct((_B, _CD), jnp.float32),
            jax.ShapeDtypeStruct((_NBLK, 1, _BB), jnp.int32),
        ],
        scratch_shapes=[pltpu.VMEM((1, _K), jnp.float32)],
    )(subj, rel, obj, w1, b1, w2, b2, w3, b3, cb)


def _dec_call(zq, z, w1, b1, w2, b2, w3, b3):
    return pl.pallas_call(
        _dec_body,
        grid=(_NBLK,),
        in_specs=[
            pl.BlockSpec((_BB, _CD), lambda i: (i, 0)),
            pl.BlockSpec((_BB, _CD), lambda i: (i, 0)),
            pl.BlockSpec((_CD, _HD), lambda i: (0, 0)),
            pl.BlockSpec((1, _HD), lambda i: (0, 0)),
            pl.BlockSpec((_HD, _HD), lambda i: (0, 0)),
            pl.BlockSpec((1, _HD), lambda i: (0, 0)),
            pl.BlockSpec((_HD, 3 * _ED), lambda i: (0, 0)),
            pl.BlockSpec((1, 3 * _ED), lambda i: (0, 0)),
        ],
        out_specs=[
            pl.BlockSpec((_BB, _ED), lambda i: (i, 0)),
            pl.BlockSpec((_BB, _ED), lambda i: (i, 0)),
            pl.BlockSpec((_BB, _ED), lambda i: (i, 0)),
            pl.BlockSpec((1, 1), lambda i: (0, 0)),
        ],
        out_shape=[
            jax.ShapeDtypeStruct((_B, _ED), jnp.float32),
            jax.ShapeDtypeStruct((_B, _ED), jnp.float32),
            jax.ShapeDtypeStruct((_B, _ED), jnp.float32),
            jax.ShapeDtypeStruct((1, 1), jnp.float32),
        ],
    )(zq, z, w1, b1, w2, b2, w3, b3)


def kernel(subj_emb, rel_emb, obj_emb, enc_W1, enc_b1, enc_W2, enc_b2,
           enc_W3, enc_b3, codebook, dec_W1, dec_b1, dec_W2, dec_b2,
           dec_W3, dec_b3):
    z, codes3 = _enc_vq_call(
        subj_emb, rel_emb, obj_emb, enc_W1, enc_b1.reshape(1, _HD),
        enc_W2, enc_b2.reshape(1, _HD), enc_W3, enc_b3.reshape(1, _CD),
        codebook)
    codes = codes3.reshape(_B)

    z_q = _sc_gather_fn()(codebook, codes)

    subj_r, rel_r, obj_r, sse = _dec_call(
        z_q, z, dec_W1, dec_b1.reshape(1, _HD), dec_W2,
        dec_b2.reshape(1, _HD), dec_W3, dec_b3.reshape(1, 3 * _ED))

    codebook_loss = sse[0, 0] / jnp.float32(_B * _CD)
    commitment_loss = codebook_loss * jnp.float32(_BETA)
    total_vq = codebook_loss + commitment_loss
    return (subj_r, rel_r, obj_r, codes, codebook_loss, commitment_loss,
            total_vq)

# --- scband reference (transcript-rebuilt; emitter-appended) ---
"""Pipeline reference for scband-proposition-vqvae-27668179321221 (READ-ONLY COPY).

The authoritative reference and input builder live on the scoring server;
editing this copy changes nothing except your own understanding.
"""

import jax, jax.numpy as jnp
import numpy as np

B = 16384
ED = 256
HD = 512
CD = 256
K = 8192
BETA = 0.25


def setup_inputs(seed: int = 0) -> dict:
    key = jax.random.key(seed)
    ks = jax.random.split(key, 16)
    s = 0.02
    inp = {
        "subj_emb": jax.random.normal(ks[0], (B, ED), dtype=jnp.float32),
        "rel_emb": jax.random.normal(ks[1], (B, ED), dtype=jnp.float32),
        "obj_emb": jax.random.normal(ks[2], (B, ED), dtype=jnp.float32),
        "enc_W1": jax.random.normal(ks[3], (3 * ED, HD), dtype=jnp.float32) * s,
        "enc_b1": jnp.zeros((HD,), jnp.float32),
        "enc_W2": jax.random.normal(ks[4], (HD, HD), dtype=jnp.float32) * s,
        "enc_b2": jnp.zeros((HD,), jnp.float32),
        "enc_W3": jax.random.normal(ks[5], (HD, CD), dtype=jnp.float32) * s,
        "enc_b3": jnp.zeros((CD,), jnp.float32),
        "codebook": jax.random.uniform(ks[6], (K, CD), dtype=jnp.float32, minval=-1.0 / K, maxval=1.0 / K),
        "dec_W1": jax.random.normal(ks[7], (CD, HD), dtype=jnp.float32) * s,
        "dec_b1": jnp.zeros((HD,), jnp.float32),
        "dec_W2": jax.random.normal(ks[8], (HD, HD), dtype=jnp.float32) * s,
        "dec_b2": jnp.zeros((HD,), jnp.float32),
        "dec_W3": jax.random.normal(ks[9], (HD, 3 * ED), dtype=jnp.float32) * s,
        "dec_b3": jnp.zeros((3 * ED,), jnp.float32),
    }
    return inp


def reference(subj_emb, rel_emb, obj_emb, enc_W1, enc_b1, enc_W2, enc_b2, enc_W3, enc_b3,
              codebook, dec_W1, dec_b1, dec_W2, dec_b2, dec_W3, dec_b3):
    # Encoder
    prop_vec = jnp.concatenate([subj_emb, rel_emb, obj_emb], axis=-1)
    h = jax.nn.relu(prop_vec @ enc_W1 + enc_b1)
    h = jax.nn.relu(h @ enc_W2 + enc_b2)
    z = h @ enc_W3 + enc_b3

    # VQ codebook quantization
    z_squared = jnp.sum(z ** 2, axis=1, keepdims=True)
    cb_squared = jnp.sum(codebook ** 2, axis=1)
    distances = z_squared + cb_squared - 2.0 * (z @ codebook.T)
    codes = jnp.argmin(distances, axis=1)
    z_q = jnp.take(codebook, codes, axis=0)

    codebook_loss = jnp.mean((jax.lax.stop_gradient(z_q) - z) ** 2)
    commitment_loss = jnp.mean((z_q - jax.lax.stop_gradient(z)) ** 2) * BETA
    total_vq = codebook_loss + commitment_loss

    # Straight-through estimator
    z_q_st = z + jax.lax.stop_gradient(z_q - z)

    # Decoder
    h = jax.nn.relu(z_q_st @ dec_W1 + dec_b1)
    h = jax.nn.relu(h @ dec_W2 + dec_b2)
    prop_out = h @ dec_W3 + dec_b3
    pv = prop_out.reshape(-1, 3, ED)
    subj_recon = pv[:, 0, :]
    rel_recon = pv[:, 1, :]
    obj_recon = pv[:, 2, :]
    return (subj_recon, rel_recon, obj_recon, codes, codebook_loss, commitment_loss, total_vq)

if __name__ == "__main__":
    import jax
    _d = setup_inputs()
    print(jax.jit(kernel)(*tuple(_d.values())))

</pallas_src>

<mosaic_0001>
#map = affine_map<(d0, d1) -> (0, 0)>
#map1 = affine_map<(d0, d1) -> (0)>
module attributes {stable_mosaic.version = 14 : i64} {
  func.func @gather(%arg0: i32, %arg1: i32, %arg2: memref<8192x256xf32, #tpu.memory_space<hbm>>, %arg3: memref<16384xi32, #tpu.memory_space<hbm>>, %arg4: memref<16384x256xf32, #tpu.memory_space<hbm>>, %arg5: memref<4x128xi32, #tpu.memory_space<vmem>>, %arg6: memref<128x256xf32, #tpu.memory_space<vmem>>, %arg7: memref<128x256xf32, #tpu.memory_space<vmem>>, %arg8: memref<!tpu.dma_semaphore, #tpu.memory_space<semaphore_mem>>, %arg9: memref<!tpu.dma_semaphore, #tpu.memory_space<semaphore_mem>>) attributes {dimension_semantics = [#tpu.dimension_semantics<core_parallel>, #tpu.dimension_semantics<subcore_parallel>], iteration_bounds = array<i64: 2, 16>, scalar_prefetch = 0 : i64, scratch_operands = 5 : i64, tpu.core_type = #tpu.core_type<sc_vector_subcore>, window_params = [{transform_indices = #map}, {transform_indices = #map1}, {transform_indices = #map}]} {
    %mul3A = arith.constant 2 : i32
    %mul3A_0 = arith.muli %arg1, %mul3A : i32
    %add3A = arith.addi %mul3A_0, %arg0 : i32
    %mul3A_1 = arith.constant 512 : i32
    %mul3A_2 = arith.muli %add3A, %mul3A_1 : i32
    %add3A_3 = arith.constant 0 : i32
    %add3A_4 = arith.addi %mul3A_2, %add3A_3 : i32
    %run_scoped3A = arith.constant 0 : i32
    "tpu.region"() ({
      %run_scoped3A_76 = tpu.sem_alloc : memref<!tpu.dma_semaphore, #tpu.memory_space<semaphore_mem>>
      %dma_start3A_77 = arith.constant 0 : i32
      %dma_start3A_78 = tpu.memref_slice %arg5[%run_scoped3A, %dma_start3A_77] : memref<4x128xi32, #tpu.memory_space<vmem>> -> memref<1x128xi32, #tpu.memory_space<vmem>>
      %dma_start3A_79 = tpu.memref_squeeze %dma_start3A_78 : memref<1x128xi32, #tpu.memory_space<vmem>> -> memref<128xi32, #tpu.memory_space<vmem>>
      %dma_start3A_80 = tpu.memref_slice %arg3[%add3A_4] : memref<16384xi32, #tpu.memory_space<hbm>> -> memref<128xi32, #tpu.memory_space<hbm>>
      %dma_start3A_81 = arith.constant 0 : i32
      %dma_start3A_82 = tpu.memref_slice %arg5[%run_scoped3A, %dma_start3A_81] : memref<4x128xi32, #tpu.memory_space<vmem>> -> memref<1x128xi32, #tpu.memory_space<vmem>>
      %dma_start3A_83 = tpu.memref_squeeze %dma_start3A_82 : memref<1x128xi32, #tpu.memory_space<vmem>> -> memref<128xi32, #tpu.memory_space<vmem>>
      %dma_start3A_84 = tpu.memref_slice %arg3[%add3A_4] : memref<16384xi32, #tpu.memory_space<hbm>> -> memref<128xi32, #tpu.memory_space<hbm>>
      tpu.enqueue_dma source(%dma_start3A_84 : memref<128xi32, #tpu.memory_space<hbm>>) target(%dma_start3A_83 : memref<128xi32, #tpu.memory_space<vmem>>) target_semaphore(%run_scoped3A_76 : memref<!tpu.dma_semaphore, #tpu.memory_space<semaphore_mem>>)
      %dma_wait3A_85 = arith.constant 0 : i32
      %dma_wait3A_86 = tpu.memref_slice %arg5[%run_scoped3A, %dma_wait3A_85] : memref<4x128xi32, #tpu.memory_space<vmem>> -> memref<1x128xi32, #tpu.memory_space<vmem>>
      %dma_wait3A_87 = tpu.memref_squeeze %dma_wait3A_86 : memref<1x128xi32, #tpu.memory_space<vmem>> -> memref<128xi32, #tpu.memory_space<vmem>>
      %dma_wait3A_88 = tpu.memref_slice %arg3[%add3A_4] : memref<16384xi32, #tpu.memory_space<hbm>> -> memref<128xi32, #tpu.memory_space<hbm>>
      %dma_wait3A_89 = arith.constant 0 : i32
      %dma_wait3A_90 = tpu.memref_slice %arg5[%run_scoped3A, %dma_wait3A_89] : memref<4x128xi32, #tpu.memory_space<vmem>> -> memref<1x128xi32, #tpu.memory_space<vmem>>
      %dma_wait3A_91 = tpu.memref_squeeze %dma_wait3A_90 : memref<1x128xi32, #tpu.memory_space<vmem>> -> memref<128xi32, #tpu.memory_space<vmem>>
      %dma_wait3A_92 = tpu.memref_slice %arg3[%add3A_4] : memref<16384xi32, #tpu.memory_space<hbm>> -> memref<128xi32, #tpu.memory_space<hbm>>
      tpu.wait_dma2 semaphore(%run_scoped3A_76 : memref<!tpu.dma_semaphore, #tpu.memory_space<semaphore_mem>>) src(%dma_wait3A_92 : memref<128xi32, #tpu.memory_space<hbm>>) dst(%dma_wait3A_91 : memref<128xi32, #tpu.memory_space<vmem>>)
      tpu.yield
    }) : () -> ()
    %add3A_5 = arith.constant 128 : i32
    %add3A_6 = arith.addi %mul3A_2, %add3A_5 : i32
    %run_scoped3A_7 = arith.constant 1 : i32
    "tpu.region"() ({
      %run_scoped3A_76 = tpu.sem_alloc : memref<!tpu.dma_semaphore, #tpu.memory_space<semaphore_mem>>
      %dma_start3A_77 = arith.constant 0 : i32
      %dma_start3A_78 = tpu.memref_slice %arg5[%run_scoped3A_7, %dma_start3A_77] : memref<4x128xi32, #tpu.memory_space<vmem>> -> memref<1x128xi32, #tpu.memory_space<vmem>>
      %dma_start3A_79 = tpu.memref_squeeze %dma_start3A_78 : memref<1x128xi32, #tpu.memory_space<vmem>> -> memref<128xi32, #tpu.memory_space<vmem>>
      %dma_start3A_80 = tpu.memref_slice %arg3[%add3A_6] : memref<16384xi32, #tpu.memory_space<hbm>> -> memref<128xi32, #tpu.memory_space<hbm>>
      %dma_start3A_81 = arith.constant 0 : i32
      %dma_start3A_82 = tpu.memref_slice %arg5[%run_scoped3A_7, %dma_start3A_81] : memref<4x128xi32, #tpu.memory_space<vmem>> -> memref<1x128xi32, #tpu.memory_space<vmem>>
      %dma_start3A_83 = tpu.memref_squeeze %dma_start3A_82 : memref<1x128xi32, #tpu.memory_space<vmem>> -> memref<128xi32, #tpu.memory_space<vmem>>
      %dma_start3A_84 = tpu.memref_slice %arg3[%add3A_6] : memref<16384xi32, #tpu.memory_space<hbm>> -> memref<128xi32, #tpu.memory_space<hbm>>
      tpu.enqueue_dma source(%dma_start3A_84 : memref<128xi32, #tpu.memory_space<hbm>>) target(%dma_start3A_83 : memref<128xi32, #tpu.memory_space<vmem>>) target_semaphore(%run_scoped3A_76 : memref<!tpu.dma_semaphore, #tpu.memory_space<semaphore_mem>>)
      %dma_wait3A_85 = arith.constant 0 : i32
      %dma_wait3A_86 = tpu.memref_slice %arg5[%run_scoped3A_7, %dma_wait3A_85] : memref<4x128xi32, #tpu.memory_space<vmem>> -> memref<1x128xi32, #tpu.memory_space<vmem>>
      %dma_wait3A_87 = tpu.memref_squeeze %dma_wait3A_86 : memref<1x128xi32, #tpu.memory_space<vmem>> -> memref<128xi32, #tpu.memory_space<vmem>>
      %dma_wait3A_88 = tpu.memref_slice %arg3[%add3A_6] : memref<16384xi32, #tpu.memory_space<hbm>> -> memref<128xi32, #tpu.memory_space<hbm>>
      %dma_wait3A_89 = arith.constant 0 : i32
      %dma_wait3A_90 = tpu.memref_slice %arg5[%run_scoped3A_7, %dma_wait3A_89] : memref<4x128xi32, #tpu.memory_space<vmem>> -> memref<1x128xi32, #tpu.memory_space<vmem>>
      %dma_wait3A_91 = tpu.memref_squeeze %dma_wait3A_90 : memref<1x128xi32, #tpu.memory_space<vmem>> -> memref<128xi32, #tpu.memory_space<vmem>>
      %dma_wait3A_92 = tpu.memref_slice %arg3[%add3A_6] : memref<16384xi32, #tpu.memory_space<hbm>> -> memref<128xi32, #tpu.memory_space<hbm>>
      tpu.wait_dma2 semaphore(%run_scoped3A_76 : memref<!tpu.dma_semaphore, #tpu.memory_space<semaphore_mem>>) src(%dma_wait3A_92 : memref<128xi32, #tpu.memory_space<hbm>>) dst(%dma_wait3A_91 : memref<128xi32, #tpu.memory_space<vmem>>)
      tpu.yield
    }) : () -> ()
    %add3A_8 = arith.constant 256 : i32
    %add3A_9 = arith.addi %mul3A_2, %add3A_8 : i32
    %run_scoped3A_10 = arith.constant 2 : i32
    "tpu.region"() ({
      %run_scoped3A_76 = tpu.sem_alloc : memref<!tpu.dma_semaphore, #tpu.memory_space<semaphore_mem>>
      %dma_start3A_77 = arith.constant 0 : i32
      %dma_start3A_78 = tpu.memref_slice %arg5[%run_scoped3A_10, %dma_start3A_77] : memref<4x128xi32, #tpu.memory_space<vmem>> -> memref<1x128xi32, #tpu.memory_space<vmem>>
      %dma_start3A_79 = tpu.memref_squeeze %dma_start3A_78 : memref<1x128xi32, #tpu.memory_space<vmem>> -> memref<128xi32, #tpu.memory_space<vmem>>
      %dma_start3A_80 = tpu.memref_slice %arg3[%add3A_9] : memref<16384xi32, #tpu.memory_space<hbm>> -> memref<128xi32, #tpu.memory_space<hbm>>
      %dma_start3A_81 = arith.constant 0 : i32
      %dma_start3A_82 = tpu.memref_slice %arg5[%run_scoped3A_10, %dma_start3A_81] : memref<4x128xi32, #tpu.memory_space<vmem>> -> memref<1x128xi32, #tpu.memory_space<vmem>>
      %dma_start3A_83 = tpu.memref_squeeze %dma_start3A_82 : memref<1x128xi32, #tpu.memory_space<vmem>> -> memref<128xi32, #tpu.memory_space<vmem>>
      %dma_start3A_84 = tpu.memref_slice %arg3[%add3A_9] : memref<16384xi32, #tpu.memory_space<hbm>> -> memref<128xi32, #tpu.memory_space<hbm>>
      tpu.enqueue_dma source(%dma_start3A_84 : memref<128xi32, #tpu.memory_space<hbm>>) target(%dma_start3A_83 : memref<128xi32, #tpu.memory_space<vmem>>) target_semaphore(%run_scoped3A_76 : memref<!tpu.dma_semaphore, #tpu.memory_space<semaphore_mem>>)
      %dma_wait3A_85 = arith.constant 0 : i32
      %dma_wait3A_86 = tpu.memref_slice %arg5[%run_scoped3A_10, %dma_wait3A_85] : memref<4x128xi32, #tpu.memory_space<vmem>> -> memref<1x128xi32, #tpu.memory_space<vmem>>
      %dma_wait3A_87 = tpu.memref_squeeze %dma_wait3A_86 : memref<1x128xi32, #tpu.memory_space<vmem>> -> memref<128xi32, #tpu.memory_space<vmem>>
      %dma_wait3A_88 = tpu.memref_slice %arg3[%add3A_9] : memref<16384xi32, #tpu.memory_space<hbm>> -> memref<128xi32, #tpu.memory_space<hbm>>
      %dma_wait3A_89 = arith.constant 0 : i32
      %dma_wait3A_90 = tpu.memref_slice %arg5[%run_scoped3A_10, %dma_wait3A_89] : memref<4x128xi32, #tpu.memory_space<vmem>> -> memref<1x128xi32, #tpu.memory_space<vmem>>
      %dma_wait3A_91 = tpu.memref_squeeze %dma_wait3A_90 : memref<1x128xi32, #tpu.memory_space<vmem>> -> memref<128xi32, #tpu.memory_space<vmem>>
      %dma_wait3A_92 = tpu.memref_slice %arg3[%add3A_9] : memref<16384xi32, #tpu.memory_space<hbm>> -> memref<128xi32, #tpu.memory_space<hbm>>
      tpu.wait_dma2 semaphore(%run_scoped3A_76 : memref<!tpu.dma_semaphore, #tpu.memory_space<semaphore_mem>>) src(%dma_wait3A_92 : memref<128xi32, #tpu.memory_space<hbm>>) dst(%dma_wait3A_91 : memref<128xi32, #tpu.memory_space<vmem>>)
      tpu.yield
    }) : () -> ()
    %add3A_11 = arith.constant 384 : i32
    %add3A_12 = arith.addi %mul3A_2, %add3A_11 : i32
    %run_scoped3A_13 = arith.constant 3 : i32
    "tpu.region"() ({
      %run_scoped3A_76 = tpu.sem_alloc : memref<!tpu.dma_semaphore, #tpu.memory_space<semaphore_mem>>
      %dma_start3A_77 = arith.constant 0 : i32
      %dma_start3A_78 = tpu.memref_slice %arg5[%run_scoped3A_13, %dma_start3A_77] : memref<4x128xi32, #tpu.memory_space<vmem>> -> memref<1x128xi32, #tpu.memory_space<vmem>>
      %dma_start3A_79 = tpu.memref_squeeze %dma_start3A_78 : memref<1x128xi32, #tpu.memory_space<vmem>> -> memref<128xi32, #tpu.memory_space<vmem>>
      %dma_start3A_80 = tpu.memref_slice %arg3[%add3A_12] : memref<16384xi32, #tpu.memory_space<hbm>> -> memref<128xi32, #tpu.memory_space<hbm>>
      %dma_start3A_81 = arith.constant 0 : i32
      %dma_start3A_82 = tpu.memref_slice %arg5[%run_scoped3A_13, %dma_start3A_81] : memref<4x128xi32, #tpu.memory_space<vmem>> -> memref<1x128xi32, #tpu.memory_space<vmem>>
      %dma_start3A_83 = tpu.memref_squeeze %dma_start3A_82 : memref<1x128xi32, #tpu.memory_space<vmem>> -> memref<128xi32, #tpu.memory_space<vmem>>
      %dma_start3A_84 = tpu.memref_slice %arg3[%add3A_12] : memref<16384xi32, #tpu.memory_space<hbm>> -> memref<128xi32, #tpu.memory_space<hbm>>
      tpu.enqueue_dma source(%dma_start3A_84 : memref<128xi32, #tpu.memory_space<hbm>>) target(%dma_start3A_83 : memref<128xi32, #tpu.memory_space<vmem>>) target_semaphore(%run_scoped3A_76 : memref<!tpu.dma_semaphore, #tpu.memory_space<semaphore_mem>>)
      %dma_wait3A_85 = arith.constant 0 : i32
      %dma_wait3A_86 = tpu.memref_slice %arg5[%run_scoped3A_13, %dma_wait3A_85] : memref<4x128xi32, #tpu.memory_space<vmem>> -> memref<1x128xi32, #tpu.memory_space<vmem>>
      %dma_wait3A_87 = tpu.memref_squeeze %dma_wait3A_86 : memref<1x128xi32, #tpu.memory_space<vmem>> -> memref<128xi32, #tpu.memory_space<vmem>>
      %dma_wait3A_88 = tpu.memref_slice %arg3[%add3A_12] : memref<16384xi32, #tpu.memory_space<hbm>> -> memref<128xi32, #tpu.memory_space<hbm>>
      %dma_wait3A_89 = arith.constant 0 : i32
      %dma_wait3A_90 = tpu.memref_slice %arg5[%run_scoped3A_13, %dma_wait3A_89] : memref<4x128xi32, #tpu.memory_space<vmem>> -> memref<1x128xi32, #tpu.memory_space<vmem>>
      %dma_wait3A_91 = tpu.memref_squeeze %dma_wait3A_90 : memref<1x128xi32, #tpu.memory_space<vmem>> -> memref<128xi32, #tpu.memory_space<vmem>>
      %dma_wait3A_92 = tpu.memref_slice %arg3[%add3A_12] : memref<16384xi32, #tpu.memory_space<hbm>> -> memref<128xi32, #tpu.memory_space<hbm>>
      tpu.wait_dma2 semaphore(%run_scoped3A_76 : memref<!tpu.dma_semaphore, #tpu.memory_space<semaphore_mem>>) src(%dma_wait3A_92 : memref<128xi32, #tpu.memory_space<hbm>>) dst(%dma_wait3A_91 : memref<128xi32, #tpu.memory_space<vmem>>)
      tpu.yield
    }) : () -> ()
    %dma_start3A = arith.constant 0 : i32
    %dma_start3A_14 = arith.constant 0 : i32
    %dma_start3A_15 = tpu.memref_slice %arg5[%dma_start3A, %dma_start3A_14] : memref<4x128xi32, #tpu.memory_space<vmem>> -> memref<1x128xi32, #tpu.memory_space<vmem>>
    %dma_start3A_16 = tpu.memref_squeeze %dma_start3A_15 : memref<1x128xi32, #tpu.memory_space<vmem>> -> memref<128xi32, #tpu.memory_space<vmem>>
    %dma_start3A_17 = arith.constant 0 : i32
    %dma_start3A_18 = arith.constant 0 : i32
    %dma_start3A_19 = tpu.memref_slice %arg2[%dma_start3A_17, %dma_start3A_18] : memref<8192x256xf32, #tpu.memory_space<hbm>> -> memref<8192x256xf32, #tpu.memory_space<hbm>>
    tpu.enqueue_indirect_dma source(%dma_start3A_19 : memref<8192x256xf32, #tpu.memory_space<hbm>>) target(%arg6 : memref<128x256xf32, #tpu.memory_space<vmem>>) offsets(%dma_start3A_16 : memref<128xi32, #tpu.memory_space<vmem>>) semaphore(%arg8 : memref<!tpu.dma_semaphore, #tpu.memory_space<semaphore_mem>>)
    %dma_wait3A = arith.constant 0 : i32
    %dma_wait3A_20 = arith.constant 0 : i32
    %dma_wait3A_21 = tpu.memref_slice %arg5[%dma_wait3A, %dma_wait3A_20] : memref<4x128xi32, #tpu.memory_space<vmem>> -> memref<1x128xi32, #tpu.memory_space<vmem>>
    %dma_wait3A_22 = tpu.memref_squeeze %dma_wait3A_21 : memref<1x128xi32, #tpu.memory_space<vmem>> -> memref<128xi32, #tpu.memory_space<vmem>>
    %dma_wait3A_23 = arith.constant 0 : i32
    %dma_wait3A_24 = arith.constant 0 : i32
    %dma_wait3A_25 = tpu.memref_slice %arg2[%dma_wait3A_23, %dma_wait3A_24] : memref<8192x256xf32, #tpu.memory_space<hbm>> -> memref<8192x256xf32, #tpu.memory_space<hbm>>
    tpu.wait_indirect_dma semaphore(%arg8 : memref<!tpu.dma_semaphore, #tpu.memory_space<semaphore_mem>>) src(%dma_wait3A_25 : memref<8192x256xf32, #tpu.memory_space<hbm>>) dst(%arg6 : memref<128x256xf32, #tpu.memory_space<vmem>>)
    %add3A_26 = arith.constant 0 : i32
    %add3A_27 = arith.addi %mul3A_2, %add3A_26 : i32
    "tpu.region"() ({
      %run_scoped3A_76 = tpu.sem_alloc : memref<!tpu.dma_semaphore, #tpu.memory_space<semaphore_mem>>
      %dma_start3A_77 = arith.constant 0 : i32
      %dma_start3A_78 = tpu.memref_slice %arg4[%add3A_27, %dma_start3A_77] : memref<16384x256xf32, #tpu.memory_space<hbm>> -> memref<128x256xf32, #tpu.memory_space<hbm>>
      %dma_start3A_79 = arith.constant 0 : i32
      %dma_start3A_80 = tpu.memref_slice %arg4[%add3A_27, %dma_start3A_79] : memref<16384x256xf32, #tpu.memory_space<hbm>> -> memref<128x256xf32, #tpu.memory_space<hbm>>
      tpu.enqueue_dma source(%arg6 : memref<128x256xf32, #tpu.memory_space<vmem>>) target(%dma_start3A_80 : memref<128x256xf32, #tpu.memory_space<hbm>>) target_semaphore(%run_scoped3A_76 : memref<!tpu.dma_semaphore, #tpu.memory_space<semaphore_mem>>)
      %dma_wait3A_81 = arith.constant 0 : i32
      %dma_wait3A_82 = tpu.memref_slice %arg4[%add3A_27, %dma_wait3A_81] : memref<16384x256xf32, #tpu.memory_space<hbm>> -> memref<128x256xf32, #tpu.memory_space<hbm>>
      %dma_wait3A_83 = arith.constant 0 : i32
      %dma_wait3A_84 = tpu.memref_slice %arg4[%add3A_27, %dma_wait3A_83] : memref<16384x256xf32, #tpu.memory_space<hbm>> -> memref<128x256xf32, #tpu.memory_space<hbm>>
      tpu.wait_dma2 semaphore(%run_scoped3A_76 : memref<!tpu.dma_semaphore, #tpu.memory_space<semaphore_mem>>) src(%arg6 : memref<128x256xf32, #tpu.memory_space<vmem>>) dst(%dma_wait3A_84 : memref<128x256xf32, #tpu.memory_space<hbm>>)
      tpu.yield
    }) : () -> ()
    %dma_start3A_28 = arith.constant 1 : i32
    %dma_start3A_29 = arith.constant 0 : i32
    %dma_start3A_30 = tpu.memref_slice %arg5[%dma_start3A_28, %dma_start3A_29] : memref<4x128xi32, #tpu.memory_space<vmem>> -> memref<1x128xi32, #tpu.memory_space<vmem>>
    %dma_start3A_31 = tpu.memref_squeeze %dma_start3A_30 : memref<1x128xi32, #tpu.memory_space<vmem>> -> memref<128xi32, #tpu.memory_space<vmem>>
    %dma_start3A_32 = arith.constant 0 : i32
    %dma_start3A_33 = arith.constant 0 : i32
    %dma_start3A_34 = tpu.memref_slice %arg2[%dma_start3A_32, %dma_start3A_33] : memref<8192x256xf32, #tpu.memory_space<hbm>> -> memref<8192x256xf32, #tpu.memory_space<hbm>>
    tpu.enqueue_indirect_dma source(%dma_start3A_34 : memref<8192x256xf32, #tpu.memory_space<hbm>>) target(%arg7 : memref<128x256xf32, #tpu.memory_space<vmem>>) offsets(%dma_start3A_31 : memref<128xi32, #tpu.memory_space<vmem>>) semaphore(%arg9 : memref<!tpu.dma_semaphore, #tpu.memory_space<semaphore_mem>>)
    %dma_wait3A_35 = arith.constant 1 : i32
    %dma_wait3A_36 = arith.constant 0 : i32
    %dma_wait3A_37 = tpu.memref_slice %arg5[%dma_wait3A_35, %dma_wait3A_36] : memref<4x128xi32, #tpu.memory_space<vmem>> -> memref<1x128xi32, #tpu.memory_space<vmem>>
    %dma_wait3A_38 = tpu.memref_squeeze %dma_wait3A_37 : memref<1x128xi32, #tpu.memory_space<vmem>> -> memref<128xi32, #tpu.memory_space<vmem>>
    %dma_wait3A_39 = arith.constant 0 : i32
    %dma_wait3A_40 = arith.constant 0 : i32
    %dma_wait3A_41 = tpu.memref_slice %arg2[%dma_wait3A_39, %dma_wait3A_40] : memref<8192x256xf32, #tpu.memory_space<hbm>> -> memref<8192x256xf32, #tpu.memory_space<hbm>>
    tpu.wait_indirect_dma semaphore(%arg9 : memref<!tpu.dma_semaphore, #tpu.memory_space<semaphore_mem>>) src(%dma_wait3A_41 : memref<8192x256xf32, #tpu.memory_space<hbm>>) dst(%arg7 : memref<128x256xf32, #tpu.memory_space<vmem>>)
    %add3A_42 = arith.constant 128 : i32
    %add3A_43 = arith.addi %mul3A_2, %add3A_42 : i32
    "tpu.region"() ({
      %run_scoped3A_76 = tpu.sem_alloc : memref<!tpu.dma_semaphore, #tpu.memory_space<semaphore_mem>>
      %dma_start3A_77 = arith.constant 0 : i32
      %dma_start3A_78 = tpu.memref_slice %arg4[%add3A_43, %dma_start3A_77] : memref<16384x256xf32, #tpu.memory_space<hbm>> -> memref<128x256xf32, #tpu.memory_space<hbm>>
      %dma_start3A_79 = arith.constant 0 : i32
      %dma_start3A_80 = tpu.memref_slice %arg4[%add3A_43, %dma_start3A_79] : memref<16384x256xf32, #tpu.memory_space<hbm>> -> memref<128x256xf32, #tpu.memory_space<hbm>>
      tpu.enqueue_dma source(%arg7 : memref<128x256xf32, #tpu.memory_space<vmem>>) target(%dma_start3A_80 : memref<128x256xf32, #tpu.memory_space<hbm>>) target_semaphore(%run_scoped3A_76 : memref<!tpu.dma_semaphore, #tpu.memory_space<semaphore_mem>>)
      %dma_wait3A_81 = arith.constant 0 : i32
      %dma_wait3A_82 = tpu.memref_slice %arg4[%add3A_43, %dma_wait3A_81] : memref<16384x256xf32, #tpu.memory_space<hbm>> -> memref<128x256xf32, #tpu.memory_space<hbm>>
      %dma_wait3A_83 = arith.constant 0 : i32
      %dma_wait3A_84 = tpu.memref_slice %arg4[%add3A_43, %dma_wait3A_83] : memref<16384x256xf32, #tpu.memory_space<hbm>> -> memref<128x256xf32, #tpu.memory_space<hbm>>
      tpu.wait_dma2 semaphore(%run_scoped3A_76 : memref<!tpu.dma_semaphore, #tpu.memory_space<semaphore_mem>>) src(%arg7 : memref<128x256xf32, #tpu.memory_space<vmem>>) dst(%dma_wait3A_84 : memref<128x256xf32, #tpu.memory_space<hbm>>)
      tpu.yield
    }) : () -> ()
    %dma_start3A_44 = arith.constant 2 : i32
    %dma_start3A_45 = arith.constant 0 : i32
    %dma_start3A_46 = tpu.memref_slice %arg5[%dma_start3A_44, %dma_start3A_45] : memref<4x128xi32, #tpu.memory_space<vmem>> -> memref<1x128xi32, #tpu.memory_space<vmem>>
    %dma_start3A_47 = tpu.memref_squeeze %dma_start3A_46 : memref<1x128xi32, #tpu.memory_space<vmem>> -> memref<128xi32, #tpu.memory_space<vmem>>
    %dma_start3A_48 = arith.constant 0 : i32
    %dma_start3A_49 = arith.constant 0 : i32
    %dma_start3A_50 = tpu.memref_slice %arg2[%dma_start3A_48, %dma_start3A_49] : memref<8192x256xf32, #tpu.memory_space<hbm>> -> memref<8192x256xf32, #tpu.memory_space<hbm>>
    tpu.enqueue_indirect_dma source(%dma_start3A_50 : memref<8192x256xf32, #tpu.memory_space<hbm>>) target(%arg6 : memref<128x256xf32, #tpu.memory_space<vmem>>) offsets(%dma_start3A_47 : memref<128xi32, #tpu.memory_space<vmem>>) semaphore(%arg8 : memref<!tpu.dma_semaphore, #tpu.memory_space<semaphore_mem>>)
    %dma_wait3A_51 = arith.constant 2 : i32
    %dma_wait3A_52 = arith.constant 0 : i32
    %dma_wait3A_53 = tpu.memref_slice %arg5[%dma_wait3A_51, %dma_wait3A_52] : memref<4x128xi32, #tpu.memory_space<vmem>> -> memref<1x128xi32, #tpu.memory_space<vmem>>
    %dma_wait3A_54 = tpu.memref_squeeze %dma_wait3A_53 : memref<1x128xi32, #tpu.memory_space<vmem>> -> memref<128xi32, #tpu.memory_space<vmem>>
    %dma_wait3A_55 = arith.constant 0 : i32
    %dma_wait3A_56 = arith.constant 0 : i32
    %dma_wait3A_57 = tpu.memref_slice %arg2[%dma_wait3A_55, %dma_wait3A_56] : memref<8192x256xf32, #tpu.memory_space<hbm>> -> memref<8192x256xf32, #tpu.memory_space<hbm>>
    tpu.wait_indirect_dma semaphore(%arg8 : memref<!tpu.dma_semaphore, #tpu.memory_space<semaphore_mem>>) src(%dma_wait3A_57 : memref<8192x256xf32, #tpu.memory_space<hbm>>) dst(%arg6 : memref<128x256xf32, #tpu.memory_space<vmem>>)
    %add3A_58 = arith.constant 256 : i32
    %add3A_59 = arith.addi %mul3A_2, %add3A_58 : i32
    "tpu.region"() ({
      %run_scoped3A_76 = tpu.sem_alloc : memref<!tpu.dma_semaphore, #tpu.memory_space<semaphore_mem>>
      %dma_start3A_77 = arith.constant 0 : i32
      %dma_start3A_78 = tpu.memref_slice %arg4[%add3A_59, %dma_start3A_77] : memref<16384x256xf32, #tpu.memory_space<hbm>> -> memref<128x256xf32, #tpu.memory_space<hbm>>
      %dma_start3A_79 = arith.constant 0 : i32
      %dma_start3A_80 = tpu.memref_slice %arg4[%add3A_59, %dma_start3A_79] : memref<16384x256xf32, #tpu.memory_space<hbm>> -> memref<128x256xf32, #tpu.memory_space<hbm>>
      tpu.enqueue_dma source(%arg6 : memref<128x256xf32, #tpu.memory_space<vmem>>) target(%dma_start3A_80 : memref<128x256xf32, #tpu.memory_space<hbm>>) target_semaphore(%run_scoped3A_76 : memref<!tpu.dma_semaphore, #tpu.memory_space<semaphore_mem>>)
      %dma_wait3A_81 = arith.constant 0 : i32
      %dma_wait3A_82 = tpu.memref_slice %arg4[%add3A_59, %dma_wait3A_81] : memref<16384x256xf32, #tpu.memory_space<hbm>> -> memref<128x256xf32, #tpu.memory_space<hbm>>
      %dma_wait3A_83 = arith.constant 0 : i32
      %dma_wait3A_84 = tpu.memref_slice %arg4[%add3A_59, %dma_wait3A_83] : memref<16384x256xf32, #tpu.memory_space<hbm>> -> memref<128x256xf32, #tpu.memory_space<hbm>>
      tpu.wait_dma2 semaphore(%run_scoped3A_76 : memref<!tpu.dma_semaphore, #tpu.memory_space<semaphore_mem>>) src(%arg6 : memref<128x256xf32, #tpu.memory_space<vmem>>) dst(%dma_wait3A_84 : memref<128x256xf32, #tpu.memory_space<hbm>>)
      tpu.yield
    }) : () -> ()
    %dma_start3A_60 = arith.constant 3 : i32
    %dma_start3A_61 = arith.constant 0 : i32
    %dma_start3A_62 = tpu.memref_slice %arg5[%dma_start3A_60, %dma_start3A_61] : memref<4x128xi32, #tpu.memory_space<vmem>> -> memref<1x128xi32, #tpu.memory_space<vmem>>
    %dma_start3A_63 = tpu.memref_squeeze %dma_start3A_62 : memref<1x128xi32, #tpu.memory_space<vmem>> -> memref<128xi32, #tpu.memory_space<vmem>>
    %dma_start3A_64 = arith.constant 0 : i32
    %dma_start3A_65 = arith.constant 0 : i32
    %dma_start3A_66 = tpu.memref_slice %arg2[%dma_start3A_64, %dma_start3A_65] : memref<8192x256xf32, #tpu.memory_space<hbm>> -> memref<8192x256xf32, #tpu.memory_space<hbm>>
    tpu.enqueue_indirect_dma source(%dma_start3A_66 : memref<8192x256xf32, #tpu.memory_space<hbm>>) target(%arg7 : memref<128x256xf32, #tpu.memory_space<vmem>>) offsets(%dma_start3A_63 : memref<128xi32, #tpu.memory_space<vmem>>) semaphore(%arg9 : memref<!tpu.dma_semaphore, #tpu.memory_space<semaphore_mem>>)
    %dma_wait3A_67 = arith.constant 3 : i32
    %dma_wait3A_68 = arith.constant 0 : i32
    %dma_wait3A_69 = tpu.memref_slice %arg5[%dma_wait3A_67, %dma_wait3A_68] : memref<4x128xi32, #tpu.memory_space<vmem>> -> memref<1x128xi32, #tpu.memory_space<vmem>>
    %dma_wait3A_70 = tpu.memref_squeeze %dma_wait3A_69 : memref<1x128xi32, #tpu.memory_space<vmem>> -> memref<128xi32, #tpu.memory_space<vmem>>
    %dma_wait3A_71 = arith.constant 0 : i32
    %dma_wait3A_72 = arith.constant 0 : i32
    %dma_wait3A_73 = tpu.memref_slice %arg2[%dma_wait3A_71, %dma_wait3A_72] : memref<8192x256xf32, #tpu.memory_space<hbm>> -> memref<8192x256xf32, #tpu.memory_space<hbm>>
    tpu.wait_indirect_dma semaphore(%arg9 : memref<!tpu.dma_semaphore, #tpu.memory_space<semaphore_mem>>) src(%dma_wait3A_73 : memref<8192x256xf32, #tpu.memory_space<hbm>>) dst(%arg7 : memref<128x256xf32, #tpu.memory_space<vmem>>)
    %add3A_74 = arith.constant 384 : i32
    %add3A_75 = arith.addi %mul3A_2, %add3A_74 : i32
    "tpu.region"() ({
      %run_scoped3A_76 = tpu.sem_alloc : memref<!tpu.dma_semaphore, #tpu.memory_space<semaphore_mem>>
      %dma_start3A_77 = arith.constant 0 : i32
      %dma_start3A_78 = tpu.memref_slice %arg4[%add3A_75, %dma_start3A_77] : memref<16384x256xf32, #tpu.memory_space<hbm>> -> memref<128x256xf32, #tpu.memory_space<hbm>>
      %dma_start3A_79 = arith.constant 0 : i32
      %dma_start3A_80 = tpu.memref_slice %arg4[%add3A_75, %dma_start3A_79] : memref<16384x256xf32, #tpu.memory_space<hbm>> -> memref<128x256xf32, #tpu.memory_space<hbm>>
      tpu.enqueue_dma source(%arg7 : memref<128x256xf32, #tpu.memory_space<vmem>>) target(%dma_start3A_80 : memref<128x256xf32, #tpu.memory_space<hbm>>) target_semaphore(%run_scoped3A_76 : memref<!tpu.dma_semaphore, #tpu.memory_space<semaphore_mem>>)
      %dma_wait3A_81 = arith.constant 0 : i32
      %dma_wait3A_82 = tpu.memref_slice %arg4[%add3A_75, %dma_wait3A_81] : memref<16384x256xf32, #tpu.memory_space<hbm>> -> memref<128x256xf32, #tpu.memory_space<hbm>>
      %dma_wait3A_83 = arith.constant 0 : i32
      %dma_wait3A_84 = tpu.memref_slice %arg4[%add3A_75, %dma_wait3A_83] : memref<16384x256xf32, #tpu.memory_space<hbm>> -> memref<128x256xf32, #tpu.memory_space<hbm>>
      tpu.wait_dma2 semaphore(%run_scoped3A_76 : memref<!tpu.dma_semaphore, #tpu.memory_space<semaphore_mem>>) src(%arg7 : memref<128x256xf32, #tpu.memory_space<vmem>>) dst(%dma_wait3A_84 : memref<128x256xf32, #tpu.memory_space<hbm>>)
      tpu.yield
    }) : () -> ()
    return
  }
}

module attributes {stable_mosaic.version = 14 : i64} {
  func.func @_dec_body(%arg0: i32, %arg1: memref<256x256xf32, #tpu.memory_space<vmem>>, %arg2: memref<256x256xf32, #tpu.memory_space<vmem>>, %arg3: memref<256x512xf32, #tpu.memory_space<vmem>>, %arg4: memref<1x512xf32, #tpu.memory_space<vmem>>, %arg5: memref<512x512xf32, #tpu.memory_space<vmem>>, %arg6: memref<1x512xf32, #tpu.memory_space<vmem>>, %arg7: memref<512x768xf32, #tpu.memory_space<vmem>>, %arg8: memref<1x768xf32, #tpu.memory_space<vmem>>, %arg9: memref<256x256xf32, #tpu.memory_space<vmem>>, %arg10: memref<256x256xf32, #tpu.memory_space<vmem>>, %arg11: memref<256x256xf32, #tpu.memory_space<vmem>>, %arg12: memref<1x1xf32, #tpu.memory_space<vmem>>) attributes {dimension_semantics = [#tpu.dimension_semantics<arbitrary>], iteration_bounds = array<i64: 64>, scalar_prefetch = 0 : i64, scratch_operands = 0 : i64, tpu.core_type = #tpu.core_type<tc>, window_params = [{transform_indices = @transform_0, window_bounds = array<i64: 256, 256>}, {transform_indices = @transform_1, window_bounds = array<i64: 256, 256>}, {pipeline_mode = #tpu.pipeline_mode<synchronous>, transform_indices = @transform_2, window_bounds = array<i64: 256, 512>}, {pipeline_mode = #tpu.pipeline_mode<synchronous>, transform_indices = @transform_3, window_bounds = array<i64: 1, 512>}, {pipeline_mode = #tpu.pipeline_mode<synchronous>, transform_indices = @transform_4, window_bounds = array<i64: 512, 512>}, {pipeline_mode = #tpu.pipeline_mode<synchronous>, transform_indices = @transform_5, window_bounds = array<i64: 1, 512>}, {pipeline_mode = #tpu.pipeline_mode<synchronous>, transform_indices = @transform_6, window_bounds = array<i64: 512, 768>}, {pipeline_mode = #tpu.pipeline_mode<synchronous>, transform_indices = @transform_7, window_bounds = array<i64: 1, 768>}, {transform_indices = @transform_8, window_bounds = array<i64: 256, 256>}, {transform_indices = @transform_9, window_bounds = array<i64: 256, 256>}, {transform_indices = @transform_10, window_bounds = array<i64: 256, 256>}, {pipeline_mode = #tpu.pipeline_mode<synchronous>, transform_indices = @transform_11, window_bounds = array<i64: 1, 1>}]} {
    %get3A = arith.constant 0 : index
    %get3A_0 = arith.constant 0 : index
    %get3A_1 = vector.load %arg1[%get3A, %get3A_0] : memref<256x256xf32, #tpu.memory_space<vmem>>, vector<256x256xf32>
    %get3A_2 = arith.constant 0 : index
    %get3A_3 = arith.constant 0 : index
    %get3A_4 = vector.load %arg2[%get3A_2, %get3A_3] : memref<256x256xf32, #tpu.memory_space<vmem>>, vector<256x256xf32>
    %sub3A = arith.subf %get3A_1, %get3A_4 : vector<256x256xf32>
    %mul3A = arith.mulf %sub3A, %sub3A : vector<256x256xf32>
    %reduce_sum3A = vector.shape_cast %mul3A : vector<256x256xf32> to vector<1x256x256xf32>
    %reduce_sum3A_5 = arith.constant dense<0.000000e+00> : vector<1xf32>
    %reduce_sum3A_6 = vector.multi_reduction <add>, %reduce_sum3A, %reduce_sum3A_5 [1, 2] : vector<1x256x256xf32> to vector<1xf32>
    %reduce_sum3A_7 = vector.shape_cast %reduce_sum3A_6 : vector<1xf32> to vector<1x1x1xf32>
    %reduce_sum3A_8 = vector.extract %reduce_sum3A_7[0, 0, 0] : f32 from vector<1x1x1xf32>
    %eq3A = arith.constant 0 : i32
    %eq3A_9 = arith.cmpi eq, %arg0, %eq3A : i32
    %convert_element_type3A = arith.extui %eq3A_9 : i1 to i32
    %cond3A = arith.constant 0 : i32
    %cond3A_10 = arith.cmpi ne, %convert_element_type3A, %cond3A : i32
    scf.if %cond3A_10 {
      %broadcast_in_dim3A = arith.constant 0.000000e+00 : f32
      %broadcast_in_dim3A_62 = vector.broadcast %broadcast_in_dim3A : f32 to vector<1x1xf32>
      %swap3A_63 = arith.constant 0 : index
      %swap3A_64 = arith.constant 0 : index
      %swap3A_65 = vector.load %arg12[%swap3A_63, %swap3A_64] : memref<1x1xf32, #tpu.memory_space<vmem>>, vector<1x1xf32>
      tpu.vector_store %arg12[%swap3A_63, %swap3A_64], %broadcast_in_dim3A_62 {strides = array<i32>} : memref<1x1xf32, #tpu.memory_space<vmem>>, vector<1x1xf32>,
    } else {
    }
    %get3A_11 = arith.constant 0 : index
    %get3A_12 = arith.constant 0 : index
    %get3A_13 = vector.load %arg12[%get3A_11, %get3A_12] : memref<1x1xf32, #tpu.memory_space<vmem>>, vector<1x1xf32>
    %reshape3A = vector.broadcast %reduce_sum3A_8 : f32 to vector<1x1xf32>
    %add3A = arith.addf %get3A_13, %reshape3A : vector<1x1xf32>
    %swap3A = arith.constant 0 : index
    %swap3A_14 = arith.constant 0 : index
    %swap3A_15 = vector.load %arg12[%swap3A, %swap3A_14] : memref<1x1xf32, #tpu.memory_space<vmem>>, vector<1x1xf32>
    tpu.vector_store %arg12[%swap3A, %swap3A_14], %add3A {strides = array<i32>} : memref<1x1xf32, #tpu.memory_space<vmem>>, vector<1x1xf32>,
    %add3A_16 = arith.addf %get3A_4, %sub3A : vector<256x256xf32>
    %get3A_17 = arith.constant 0 : index
    %get3A_18 = arith.constant 0 : index
    %get3A_19 = vector.load %arg3[%get3A_17, %get3A_18] : memref<256x512xf32, #tpu.memory_space<vmem>>, vector<256x512xf32>
    %dot_general3A = arith.constant dense<0.000000e+00> : vector<256x512xf32>
    %dot_general3A_20 = tpu.matmul %add3A_16, %get3A_19, %dot_general3A {dimension_numbers = #tpu.dot_dimension_numbers<[1], [0], [0], [1], [0, 0, 1, 1], [], []>, transpose_lhs_hint = false} : vector<256x256xf32>, vector<256x512xf32>, vector<256x512xf32> -> vector<256x512xf32>
    %get3A_21 = arith.constant 0 : index
    %get3A_22 = arith.constant 0 : index
    %get3A_23 = vector.load %arg4[%get3A_21, %get3A_22] : memref<1x512xf32, #tpu.memory_space<vmem>>, vector<1x512xf32>
    %add3A_24 = vector.broadcast %get3A_23 : vector<1x512xf32> to vector<256x512xf32>
    %add3A_25 = arith.addf %dot_general3A_20, %add3A_24 : vector<256x512xf32>
    %max3A = arith.constant 0.000000e+00 : f32
    %max3A_26 = vector.broadcast %max3A : f32 to vector<256x512xf32>
    %max3A_27 = arith.maximumf %add3A_25, %max3A_26 : vector<256x512xf32>
    %get3A_28 = arith.constant 0 : index
    %get3A_29 = arith.constant 0 : index
    %get3A_30 = vector.load %arg5[%get3A_28, %get3A_29] : memref<512x512xf32, #tpu.memory_space<vmem>>, vector<512x512xf32>
    %dot_general3A_31 = arith.constant dense<0.000000e+00> : vector<256x512xf32>
    %dot_general3A_32 = tpu.matmul %max3A_27, %get3A_30, %dot_general3A_31 {dimension_numbers = #tpu.dot_dimension_numbers<[1], [0], [0], [1], [0, 0, 1, 1], [], []>, transpose_lhs_hint = false} : vector<256x512xf32>, vector<512x512xf32>, vector<256x512xf32> -> vector<256x512xf32>
    %get3A_33 = arith.constant 0 : index
    %get3A_34 = arith.constant 0 : index
    %get3A_35 = vector.load %arg6[%get3A_33, %get3A_34] : memref<1x512xf32, #tpu.memory_space<vmem>>, vector<1x512xf32>
    %add3A_36 = vector.broadcast %get3A_35 : vector<1x512xf32> to vector<256x512xf32>
    %add3A_37 = arith.addf %dot_general3A_32, %add3A_36 : vector<256x512xf32>
    %max3A_38 = arith.constant 0.000000e+00 : f32
    %max3A_39 = vector.broadcast %max3A_38 : f32 to vector<256x512xf32>
    %max3A_40 = arith.maximumf %add3A_37, %max3A_39 : vector<256x512xf32>
    %get3A_41 = arith.constant 0 : index
    %get3A_42 = arith.constant 0 : index
    %get3A_43 = vector.load %arg7[%get3A_41, %get3A_42] : memref<512x768xf32, #tpu.memory_space<vmem>>, vector<512x768xf32>
    %dot_general3A_44 = arith.constant dense<0.000000e+00> : vector<256x768xf32>
    %dot_general3A_45 = tpu.matmul %max3A_40, %get3A_43, %dot_general3A_44 {dimension_numbers = #tpu.dot_dimension_numbers<[1], [0], [0], [1], [0, 0, 1, 1], [], []>, transpose_lhs_hint = false} : vector<256x512xf32>, vector<512x768xf32>, vector<256x768xf32> -> vector<256x768xf32>
    %get3A_46 = arith.constant 0 : index
    %get3A_47 = arith.constant 0 : index
    %get3A_48 = vector.load %arg8[%get3A_46, %get3A_47] : memref<1x768xf32, #tpu.memory_space<vmem>>, vector<1x768xf32>
    %add3A_49 = vector.broadcast %get3A_48 : vector<1x768xf32> to vector<256x768xf32>
    %add3A_50 = arith.addf %dot_general3A_45, %add3A_49 : vector<256x768xf32>
    %slice3A = vector.extract_strided_slice %add3A_50 {offsets = [0, 0], sizes = [256, 256], strides = [1, 1]} : vector<256x768xf32> to vector<256x256xf32>
    %swap3A_51 = arith.constant 0 : index
    %swap3A_52 = arith.constant 0 : index
    %swap3A_53 = vector.load %arg9[%swap3A_51, %swap3A_52] : memref<256x256xf32, #tpu.memory_space<vmem>>, vector<256x256xf32>
    tpu.vector_store %arg9[%swap3A_51, %swap3A_52], %slice3A {strides = array<i32>} : memref<256x256xf32, #tpu.memory_space<vmem>>, vector<256x256xf32>,
    %slice3A_54 = vector.extract_strided_slice %add3A_50 {offsets = [0, 256], sizes = [256, 256], strides = [1, 1]} : vector<256x768xf32> to vector<256x256xf32>
    %swap3A_55 = arith.constant 0 : index
    %swap3A_56 = arith.constant 0 : index
    %swap3A_57 = vector.load %arg10[%swap3A_55, %swap3A_56] : memref<256x256xf32, #tpu.memory_space<vmem>>, vector<256x256xf32>
    tpu.vector_store %arg10[%swap3A_55, %swap3A_56], %slice3A_54 {strides = array<i32>} : memref<256x256xf32, #tpu.memory_space<vmem>>, vector<256x256xf32>,
    %slice3A_58 = vector.extract_strided_slice %add3A_50 {offsets = [0, 512], sizes = [256, 256], strides = [1, 1]} : vector<256x768xf32> to vector<256x256xf32>
    %swap3A_59 = arith.constant 0 : index
    %swap3A_60 = arith.constant 0 : index
    %swap3A_61 = vector.load %arg11[%swap3A_59, %swap3A_60] : memref<256x256xf32, #tpu.memory_space<vmem>>, vector<256x256xf32>
    tpu.vector_store %arg11[%swap3A_59, %swap3A_60], %slice3A_58 {strides = array<i32>} : memref<256x256xf32, #tpu.memory_space<vmem>>, vector<256x256xf32>,
    return
  }
  func.func @transform_0(%arg0: i32) -> (i32, i32) {
    %c0_i32 = arith.constant 0 : i32
    %c0_i32_0 = arith.constant 0 : i32
    return %arg0, %c0_i32 : i32, i32
  }
  func.func @transform_1(%arg0: i32) -> (i32, i32) {
    %c0_i32 = arith.constant 0 : i32
    %c0_i32_0 = arith.constant 0 : i32
    return %arg0, %c0_i32 : i32, i32
  }
  func.func @transform_2(%arg0: i32) -> (i32, i32) {
    %c0_i32 = arith.constant 0 : i32
    %c0_i32_0 = arith.constant 0 : i32
    %c0_i32_1 = arith.constant 0 : i32
    return %c0_i32, %c0_i32_0 : i32, i32
  }
  func.func @transform_3(%arg0: i32) -> (i32, i32) {
    %c0_i32 = arith.constant 0 : i32
    %c0_i32_0 = arith.constant 0 : i32
    %c0_i32_1 = arith.constant 0 : i32
    return %c0_i32, %c0_i32_0 : i32, i32
  }
  func.func @transform_4(%arg0: i32) -> (i32, i32) {
    %c0_i32 = arith.constant 0 : i32
    %c0_i32_0 = arith.constant 0 : i32
    %c0_i32_1 = arith.constant 0 : i32
    return %c0_i32, %c0_i32_0 : i32, i32
  }
  func.func @transform_5(%arg0: i32) -> (i32, i32) {
    %c0_i32 = arith.constant 0 : i32
    %c0_i32_0 = arith.constant 0 : i32
    %c0_i32_1 = arith.constant 0 : i32
    return %c0_i32, %c0_i32_0 : i32, i32
  }
  func.func @transform_6(%arg0: i32) -> (i32, i32) {
    %c0_i32 = arith.constant 0 : i32
    %c0_i32_0 = arith.constant 0 : i32
    %c0_i32_1 = arith.constant 0 : i32
    return %c0_i32, %c0_i32_0 : i32, i32
  }
  func.func @transform_7(%arg0: i32) -> (i32, i32) {
    %c0_i32 = arith.constant 0 : i32
    %c0_i32_0 = arith.constant 0 : i32
    %c0_i32_1 = arith.constant 0 : i32
    return %c0_i32, %c0_i32_0 : i32, i32
  }
  func.func @transform_8(%arg0: i32) -> (i32, i32) {
    %c0_i32 = arith.constant 0 : i32
    %c0_i32_0 = arith.constant 0 : i32
    return %arg0, %c0_i32 : i32, i32
  }
  func.func @transform_9(%arg0: i32) -> (i32, i32) {
    %c0_i32 = arith.constant 0 : i32
    %c0_i32_0 = arith.constant 0 : i32
    return %arg0, %c0_i32 : i32, i32
  }
  func.func @transform_10(%arg0: i32) -> (i32, i32) {
    %c0_i32 = arith.constant 0 : i32
    %c0_i32_0 = arith.constant 0 : i32
    return %arg0, %c0_i32 : i32, i32
  }
  func.func @transform_11(%arg0: i32) -> (i32, i32) {
    %c0_i32 = arith.constant 0 : i32
    %c0_i32_0 = arith.constant 0 : i32
    %c0_i32_1 = arith.constant 0 : i32
    return %c0_i32, %c0_i32_0 : i32, i32
  }
}

module attributes {stable_mosaic.version = 14 : i64} {
  func.func @_enc_vq_body(%arg0: i32, %arg1: memref<256x256xf32, #tpu.memory_space<vmem>>, %arg2: memref<256x256xf32, #tpu.memory_space<vmem>>, %arg3: memref<256x256xf32, #tpu.memory_space<vmem>>, %arg4: memref<768x512xf32, #tpu.memory_space<vmem>>, %arg5: memref<1x512xf32, #tpu.memory_space<vmem>>, %arg6: memref<512x512xf32, #tpu.memory_space<vmem>>, %arg7: memref<1x512xf32, #tpu.memory_space<vmem>>, %arg8: memref<512x256xf32, #tpu.memory_space<vmem>>, %arg9: memref<1x256xf32, #tpu.memory_space<vmem>>, %arg10: memref<8192x256xf32, #tpu.memory_space<vmem>>, %arg11: memref<256x256xf32, #tpu.memory_space<vmem>>, %arg12: memref<1x1x256xi32, #tpu.memory_space<vmem>>, %arg13: memref<1x8192xf32, #tpu.memory_space<vmem>>) attributes {dimension_semantics = [#tpu.dimension_semantics<arbitrary>], iteration_bounds = array<i64: 64>, scalar_prefetch = 0 : i64, scratch_operands = 1 : i64, tpu.core_type = #tpu.core_type<tc>, window_params = [{transform_indices = @transform_0, window_bounds = array<i64: 256, 256>}, {transform_indices = @transform_1, window_bounds = array<i64: 256, 256>}, {transform_indices = @transform_2, window_bounds = array<i64: 256, 256>}, {pipeline_mode = #tpu.pipeline_mode<synchronous>, transform_indices = @transform_3, window_bounds = array<i64: 768, 512>}, {pipeline_mode = #tpu.pipeline_mode<synchronous>, transform_indices = @transform_4, window_bounds = array<i64: 1, 512>}, {pipeline_mode = #tpu.pipeline_mode<synchronous>, transform_indices = @transform_5, window_bounds = array<i64: 512, 512>}, {pipeline_mode = #tpu.pipeline_mode<synchronous>, transform_indices = @transform_6, window_bounds = array<i64: 1, 512>}, {pipeline_mode = #tpu.pipeline_mode<synchronous>, transform_indices = @transform_7, window_bounds = array<i64: 512, 256>}, {pipeline_mode = #tpu.pipeline_mode<synchronous>, transform_indices = @transform_8, window_bounds = array<i64: 1, 256>}, {pipeline_mode = #tpu.pipeline_mode<synchronous>, transform_indices = @transform_9, window_bounds = array<i64: 8192, 256>}, {transform_indices = @transform_10, window_bounds = array<i64: 256, 256>}, {transform_indices = @transform_11, window_bounds = array<i64: 1, 1, 256>}]} {
    %eq3A = arith.constant 0 : i32
    %eq3A_0 = arith.cmpi eq, %arg0, %eq3A : i32
    %convert_element_type3A = arith.extui %eq3A_0 : i1 to i32
    %cond3A = arith.constant 0 : i32
    %cond3A_1 = arith.cmpi ne, %convert_element_type3A, %cond3A : i32
    scf.if %cond3A_1 {
      %get3A_73 = arith.constant 0 : index
      %get3A_74 = arith.constant 0 : index
      %get3A_75 = vector.load %arg10[%get3A_73, %get3A_74] : memref<8192x256xf32, #tpu.memory_space<vmem>>, vector<8192x256xf32>
      %broadcast_in_dim3A_76 = arith.constant 1.000000e+00 : f32
      %broadcast_in_dim3A_77 = vector.broadcast %broadcast_in_dim3A_76 : f32 to vector<1x256xf32>
      %mul3A_78 = arith.mulf %get3A_75, %get3A_75 : vector<8192x256xf32>
      %dot_general3A_79 = arith.constant dense<0.000000e+00> : vector<1x8192xf32>
      %dot_general3A_80 = tpu.matmul %broadcast_in_dim3A_77, %mul3A_78, %dot_general3A_79 {dimension_numbers = #tpu.dot_dimension_numbers<[1], [1], [0], [0], [0, 0, 1, 0], [], []>, transpose_lhs_hint = false} : vector<1x256xf32>, vector<8192x256xf32>, vector<1x8192xf32> -> vector<1x8192xf32>
      %swap3A_81 = arith.constant 0 : index
      %swap3A_82 = arith.constant 0 : index
      %swap3A_83 = vector.load %arg13[%swap3A_81, %swap3A_82] : memref<1x8192xf32, #tpu.memory_space<vmem>>, vector<1x8192xf32>
      tpu.vector_store %arg13[%swap3A_81, %swap3A_82], %dot_general3A_80 {strides = array<i32>} : memref<1x8192xf32, #tpu.memory_space<vmem>>, vector<1x8192xf32>,
    } else {
    }
    %get3A = arith.constant 0 : index
    %get3A_2 = arith.constant 0 : index
    %get3A_3 = vector.load %arg1[%get3A, %get3A_2] : memref<256x256xf32, #tpu.memory_space<vmem>>, vector<256x256xf32>
    %get3A_4 = arith.constant 0 : index
    %get3A_5 = arith.constant 0 : index
    %get3A_6 = vector.load %arg2[%get3A_4, %get3A_5] : memref<256x256xf32, #tpu.memory_space<vmem>>, vector<256x256xf32>
    %get3A_7 = arith.constant 0 : index
    %get3A_8 = arith.constant 0 : index
    %get3A_9 = vector.load %arg3[%get3A_7, %get3A_8] : memref<256x256xf32, #tpu.memory_space<vmem>>, vector<256x256xf32>
    %concatenate3A = tpu.concatenate %get3A_3, %get3A_6, %get3A_9 in 1 : vector<256x256xf32>, vector<256x256xf32>, vector<256x256xf32> -> vector<256x768xf32>
    %get3A_10 = arith.constant 0 : index
    %get3A_11 = arith.constant 0 : index
    %get3A_12 = vector.load %arg4[%get3A_10, %get3A_11] : memref<768x512xf32, #tpu.memory_space<vmem>>, vector<768x512xf32>
    %dot_general3A = arith.constant dense<0.000000e+00> : vector<256x512xf32>
    %dot_general3A_13 = tpu.matmul %concatenate3A, %get3A_12, %dot_general3A {dimension_numbers = #tpu.dot_dimension_numbers<[1], [0], [0], [1], [0, 0, 1, 1], [], []>, transpose_lhs_hint = false} : vector<256x768xf32>, vector<768x512xf32>, vector<256x512xf32> -> vector<256x512xf32>
    %get3A_14 = arith.constant 0 : index
    %get3A_15 = arith.constant 0 : index
    %get3A_16 = vector.load %arg5[%get3A_14, %get3A_15] : memref<1x512xf32, #tpu.memory_space<vmem>>, vector<1x512xf32>
    %add3A = vector.broadcast %get3A_16 : vector<1x512xf32> to vector<256x512xf32>
    %add3A_17 = arith.addf %dot_general3A_13, %add3A : vector<256x512xf32>
    %max3A = arith.constant 0.000000e+00 : f32
    %max3A_18 = vector.broadcast %max3A : f32 to vector<256x512xf32>
    %max3A_19 = arith.maximumf %add3A_17, %max3A_18 : vector<256x512xf32>
    %get3A_20 = arith.constant 0 : index
    %get3A_21 = arith.constant 0 : index
    %get3A_22 = vector.load %arg6[%get3A_20, %get3A_21] : memref<512x512xf32, #tpu.memory_space<vmem>>, vector<512x512xf32>
    %dot_general3A_23 = arith.constant dense<0.000000e+00> : vector<256x512xf32>
    %dot_general3A_24 = tpu.matmul %max3A_19, %get3A_22, %dot_general3A_23 {dimension_numbers = #tpu.dot_dimension_numbers<[1], [0], [0], [1], [0, 0, 1, 1], [], []>, transpose_lhs_hint = false} : vector<256x512xf32>, vector<512x512xf32>, vector<256x512xf32> -> vector<256x512xf32>
    %get3A_25 = arith.constant 0 : index
    %get3A_26 = arith.constant 0 : index
    %get3A_27 = vector.load %arg7[%get3A_25, %get3A_26] : memref<1x512xf32, #tpu.memory_space<vmem>>, vector<1x512xf32>
    %add3A_28 = vector.broadcast %get3A_27 : vector<1x512xf32> to vector<256x512xf32>
    %add3A_29 = arith.addf %dot_general3A_24, %add3A_28 : vector<256x512xf32>
    %max3A_30 = arith.constant 0.000000e+00 : f32
    %max3A_31 = vector.broadcast %max3A_30 : f32 to vector<256x512xf32>
    %max3A_32 = arith.maximumf %add3A_29, %max3A_31 : vector<256x512xf32>
    %get3A_33 = arith.constant 0 : index
    %get3A_34 = arith.constant 0 : index
    %get3A_35 = vector.load %arg8[%get3A_33, %get3A_34] : memref<512x256xf32, #tpu.memory_space<vmem>>, vector<512x256xf32>
    %dot_general3A_36 = arith.constant dense<0.000000e+00> : vector<256x256xf32>
    %dot_general3A_37 = tpu.matmul %max3A_32, %get3A_35, %dot_general3A_36 {dimension_numbers = #tpu.dot_dimension_numbers<[1], [0], [0], [1], [0, 0, 1, 1], [], []>, transpose_lhs_hint = false} : vector<256x512xf32>, vector<512x256xf32>, vector<256x256xf32> -> vector<256x256xf32>
    %get3A_38 = arith.constant 0 : index
    %get3A_39 = arith.constant 0 : index
    %get3A_40 = vector.load %arg9[%get3A_38, %get3A_39] : memref<1x256xf32, #tpu.memory_space<vmem>>, vector<1x256xf32>
    %add3A_41 = vector.broadcast %get3A_40 : vector<1x256xf32> to vector<256x256xf32>
    %add3A_42 = arith.addf %dot_general3A_37, %add3A_41 : vector<256x256xf32>
    %swap3A = arith.constant 0 : index
    %swap3A_43 = arith.constant 0 : index
    %swap3A_44 = vector.load %arg11[%swap3A, %swap3A_43] : memref<256x256xf32, #tpu.memory_space<vmem>>, vector<256x256xf32>
    tpu.vector_store %arg11[%swap3A, %swap3A_43], %add3A_42 {strides = array<i32>} : memref<256x256xf32, #tpu.memory_space<vmem>>, vector<256x256xf32>,
    %mul3A = arith.mulf %add3A_42, %add3A_42 : vector<256x256xf32>
    %reduce_sum3A = arith.constant dense<0.000000e+00> : vector<256xf32>
    %reduce_sum3A_45 = vector.multi_reduction <add>, %mul3A, %reduce_sum3A [1] : vector<256x256xf32> to vector<256xf32>
    %broadcast_in_dim3A = vector.shape_cast %reduce_sum3A_45 : vector<256xf32> to vector<256x1xf32>
    %get3A_46 = arith.constant 0 : index
    %get3A_47 = arith.constant 0 : index
    %get3A_48 = vector.load %arg10[%get3A_46, %get3A_47] : memref<8192x256xf32, #tpu.memory_space<vmem>>, vector<8192x256xf32>
    %dot_general3A_49 = arith.constant dense<0.000000e+00> : vector<256x8192xf32>
    %dot_general3A_50 = tpu.matmul %add3A_42, %get3A_48, %dot_general3A_49 {dimension_numbers = #tpu.dot_dimension_numbers<[1], [1], [0], [0], [0, 0, 1, 0], [], []>, transpose_lhs_hint = false} : vector<256x256xf32>, vector<8192x256xf32>, vector<256x8192xf32> -> vector<256x8192xf32>
    %get3A_51 = arith.constant 0 : index
    %get3A_52 = arith.constant 0 : index
    %get3A_53 = vector.load %arg13[%get3A_51, %get3A_52] : memref<1x8192xf32, #tpu.memory_space<vmem>>, vector<1x8192xf32>
    %add3A_54 = vector.broadcast %broadcast_in_dim3A : vector<256x1xf32> to vector<256x8192xf32>
    %add3A_55 = vector.broadcast %get3A_53 : vector<1x8192xf32> to vector<256x8192xf32>
    %add3A_56 = arith.addf %add3A_54, %add3A_55 : vector<256x8192xf32>
    %mul3A_57 = arith.constant 2.000000e+00 : f32
    %mul3A_58 = vector.broadcast %mul3A_57 : f32 to vector<256x8192xf32>
    %mul3A_59 = arith.mulf %mul3A_58, %dot_general3A_50 : vector<256x8192xf32>
    %sub3A = arith.subf %add3A_56, %mul3A_59 : vector<256x8192xf32>
    %reduce_min3A = arith.constant dense<0x7F800000> : vector<256xf32>
    %reduce_min3A_60 = vector.multi_reduction <minimumf>, %sub3A, %reduce_min3A [1] : vector<256x8192xf32> to vector<256xf32>
    %broadcast_in_dim3A_61 = vector.shape_cast %reduce_min3A_60 : vector<256xf32> to vector<256x1xf32>
    %iota3A = tpu.iota {dimensions = array<i32: 1>} : vector<256x8192xi32>
    %eq3A_62 = vector.broadcast %broadcast_in_dim3A_61 : vector<256x1xf32> to vector<256x8192xf32>
    %eq3A_63 = arith.cmpf oeq, %sub3A, %eq3A_62 : vector<256x8192xf32>
    %jit3A = arith.constant 8192 : i32
    %broadcast_in_dim3A_64 = vector.broadcast %jit3A : i32 to vector<256x8192xi32>
    %select_n3A = arith.select %eq3A_63, %iota3A, %broadcast_in_dim3A_64 : vector<256x8192xi1>, vector<256x8192xi32>
    %reduce_min3A_65 = arith.constant dense<2147483647> : vector<256xi32>
    %reduce_min3A_66 = vector.multi_reduction <minsi>, %select_n3A, %reduce_min3A_65 [1] : vector<256x8192xi32> to vector<256xi32>
    %swap3A_67 = arith.constant 0 : index
    %swap3A_68 = arith.constant 0 : index
    %swap3A_69 = arith.constant 0 : index
    %swap3A_70 = vector.load %arg12[%swap3A_67, %swap3A_68, %swap3A_69] : memref<1x1x256xi32, #tpu.memory_space<vmem>>, vector<1x1x256xi32>
    %swap3A_71 = vector.shape_cast %swap3A_70 : vector<1x1x256xi32> to vector<256xi32>
    %swap3A_72 = vector.shape_cast %reduce_min3A_66 : vector<256xi32> to vector<1x1x256xi32>
    tpu.vector_store %arg12[%swap3A_67, %swap3A_68, %swap3A_69], %swap3A_72 {strides = array<i32>} : memref<1x1x256xi32, #tpu.memory_space<vmem>>, vector<1x1x256xi32>,
    return
  }
  func.func @transform_0(%arg0: i32) -> (i32, i32) {
    %c0_i32 = arith.constant 0 : i32
    %c0_i32_0 = arith.constant 0 : i32
    return %arg0, %c0_i32 : i32, i32
  }
  func.func @transform_1(%arg0: i32) -> (i32, i32) {
    %c0_i32 = arith.constant 0 : i32
    %c0_i32_0 = arith.constant 0 : i32
    return %arg0, %c0_i32 : i32, i32
  }
  func.func @transform_2(%arg0: i32) -> (i32, i32) {
    %c0_i32 = arith.constant 0 : i32
    %c0_i32_0 = arith.constant 0 : i32
    return %arg0, %c0_i32 : i32, i32
  }
  func.func @transform_3(%arg0: i32) -> (i32, i32) {
    %c0_i32 = arith.constant 0 : i32
    %c0_i32_0 = arith.constant 0 : i32
    %c0_i32_1 = arith.constant 0 : i32
    return %c0_i32, %c0_i32_0 : i32, i32
  }
  func.func @transform_4(%arg0: i32) -> (i32, i32) {
    %c0_i32 = arith.constant 0 : i32
    %c0_i32_0 = arith.constant 0 : i32
    %c0_i32_1 = arith.constant 0 : i32
    return %c0_i32, %c0_i32_0 : i32, i32
  }
  func.func @transform_5(%arg0: i32) -> (i32, i32) {
    %c0_i32 = arith.constant 0 : i32
    %c0_i32_0 = arith.constant 0 : i32
    %c0_i32_1 = arith.constant 0 : i32
    return %c0_i32, %c0_i32_0 : i32, i32
  }
  func.func @transform_6(%arg0: i32) -> (i32, i32) {
    %c0_i32 = arith.constant 0 : i32
    %c0_i32_0 = arith.constant 0 : i32
    %c0_i32_1 = arith.constant 0 : i32
    return %c0_i32, %c0_i32_0 : i32, i32
  }
  func.func @transform_7(%arg0: i32) -> (i32, i32) {
    %c0_i32 = arith.constant 0 : i32
    %c0_i32_0 = arith.constant 0 : i32
    %c0_i32_1 = arith.constant 0 : i32
    return %c0_i32, %c0_i32_0 : i32, i32
  }
  func.func @transform_8(%arg0: i32) -> (i32, i32) {
    %c0_i32 = arith.constant 0 : i32
    %c0_i32_0 = arith.constant 0 : i32
    %c0_i32_1 = arith.constant 0 : i32
    return %c0_i32, %c0_i32_0 : i32, i32
  }
  func.func @transform_9(%arg0: i32) -> (i32, i32) {
    %c0_i32 = arith.constant 0 : i32
    %c0_i32_0 = arith.constant 0 : i32
    %c0_i32_1 = arith.constant 0 : i32
    return %c0_i32, %c0_i32_0 : i32, i32
  }
  func.func @transform_10(%arg0: i32) -> (i32, i32) {
    %c0_i32 = arith.constant 0 : i32
    %c0_i32_0 = arith.constant 0 : i32
    return %arg0, %c0_i32 : i32, i32
  }
  func.func @transform_11(%arg0: i32) -> (i32, i32, i32) {
    %c0_i32 = arith.constant 0 : i32
    %c0_i32_0 = arith.constant 0 : i32
    %c0_i32_1 = arith.constant 0 : i32
    return %arg0, %c0_i32, %c0_i32_0 : i32, i32, i32
  }
}

</mosaic_0001>

<sc_bundles>
// kernel: kernel.5.cloned.1.call-start
scs
__scs_entry_jumppad:
0x0: {  	(pc) =	sbr.rel $0x88, $3  }
0x1: {  	(tag) =	ssettag $0x0;
	lr =	simm.s32 $0x1  }
0x2: {  	[smem:$0x3F91] =	sst lr;
	_ =	strace $0xD0000000  }
0x3: {  	_ = 	snop  }
0x4: {  	_ = 	snop  }
0x5: {  	_ = 	snop  }
0x6: {  	_ = 	snop  }
0x7: {  	_ = 	snop  }
__scs_overlays_trampoline_lowered:
0x8: {  	[smem:$0x3FA0] =	sst s0  }
0x9: {  	[smem:$0x3FA1] =	sst s1  }
0xa: {  	[smem:$0x3FA2] =	sst s2  }
0xb: {  	[smem:$0x3FA3] =	sst s3  }
0xc: {  	[smem:$0x3FA4] =	sst s4  }
0xd: {  	[smem:$0x3FA5] =	sst s5  }
0xe: {  	[smem:$0x3FA6] =	sst s6  }
0xf: {  	[smem:$0x3FA7] =	sst s7  }
0x10: {  	[smem:$0x3FA8] =	sst s8  }
0x11: {  	[smem:$0x3FA9] =	sst s9;
	s0 =	simm.s32 @!p0 $0x0  }
0x12: {  	s1 =	sld [smem:$0x3F8F];
	s0 =	simm.s32 @p0 $0x1  }
0x13: {  	[smem:$0x3FAA] =	sst s0;
	s0 =	simm.s32 @!p1 $0x0  }
0x14: {  	s2 =	sld [smem:$0x3F8E];
	s0 =	simm.s32 @p1 $0x1  }
0x15: {  	[smem:$0x3FAB] =	sst s0;
	s0 =	simm.s32 @!p2 $0x0  }
0x16: {  	s3 =	sld [smem:$0x3FDB];
	s0 =	simm.s32 @p2 $0x1  }
0x17: {  	s4 =	simm.s32 $0x1BF5;
	[smem:$0x3FAD] =	sst s0  }
0x18: {  	s0 =	sld [smem:$0x3F90];
	_ =	swait.ge [sflag:s4], $0x0  }
0x19: {  	s7 =	sld [smem:$0x3F91]  }
0x1a: {  	s8 =	sadd.s32 $0xFFFFE003, lr  }
0x1b: {  	s9 =	sadd.s32 $0xFFFFFEF7, lr;
	s5 =	simm.s32 $0xFFFFFFFF;
	p2 =	slt.u32 s8, $0xFFFFF086  }
0x1c: {  	p1 =	slt.u32 s9, $0xF7A;
	s5 =	simm.s32 @!p2 $0x0  }
0x1d: {  	s5 =	simm.s32 @p1 $0x1;
	p0 =	seq.s32 s7, s2  }
0x1e: {  	s7 =	smul.u32 @!p0 $0xF7A, s2;
	p2 =	seq.s32 @!p0 s5, $0x0  }
0x1f: {  	s9 =	smul.u32 $0xF7A, s1;
	s8 =	simm.s32 @!p0 $0x1BF5;
	p2 =	por !p2, p0  }
0x20: {  	[sflag:s8] =	ssyncset.s32 @!p0 $0xFFFFF086;
	s6 =	sadd.s32 @!p0 s3, s7;
	s7 =	simm.s32 @!p0 $0x108  }
0x21: {  	s3 =	sadd.s32 s3, s9;
	s6 =	sadd.s32 @!p0 $0x88, s6;
	s7 =	simm.s32 @p2 $0x1082  }
0x22: {  	[simem:s7], [sflag:s8] =	dma.local @!p0 [hbm:s6], $0xF7A  }
0x23: {  	s9 =	sor.u32 $0xD0000000, s2;
	s6 =	simm.s32 $0x108;
	_ =	swait.ge @!p0 [sflag:s8], $0x0  }
0x24: {  	s3 =	sadd.s32 $0x88, s3;
	s6 =	simm.s32 @!p1 $0x1082;
	[sflag:s4] =	ssyncset.s32 $0xFFFFF086  }
0x25: {  	[simem:s6], [sflag:s4] =	dma.local [hbm:s3], $0xF7A  }
0x26: {  	[smem:$0x3F91] =	sst s1;
	(tag) =	ssettag s2;
	_ =	strace s9  }
0x27: {  	s1 =	sld [smem:$0x3FA1]  }
0x28: {  	s2 =	sld [smem:$0x3FA2]  }
0x29: {  	s4 =	sld [smem:$0x3FA4]  }
0x2a: {  	p0 =	seq.s32 s5, $0x0;
	s5 =	sld [smem:$0x3FA5]  }
0x2b: {  	s6 =	sld [smem:$0x3FA6]  }
0x2c: {  	s7 =	sld [smem:$0x3FA7]  }
0x2d: {  	s3 =	simm.s32 $0x108;
	s8 =	sld [smem:$0x3FA8]  }
0x2e: {  	s3 =	simm.s32 @!p0 $0x1082;
	s9 =	sld [smem:$0x3FA9]  }
0x2f: {  	lr =	sadd.s32 s0, s3;
	s0 =	sld [smem:$0x3FA0]  }
0x30: {  	s3 =	sld [smem:$0x3FA3]  }
0x31: {  	[smem:$0x3FAC] =	sst s10  }
0x32: {  	s10 =	sld [smem:$0x3FAA];
	_ =	sdelay $0x3  }
0x33: {  	p0 =	seq.s32 s10, $0x1;
	s10 =	sld [smem:$0x3FAC];
	_ =	sdelay $0x3  }
0x34: {  	[smem:$0x3FAC] =	sst s10  }
0x35: {  	s10 =	sld [smem:$0x3FAB];
	_ =	sdelay $0x3  }
0x36: {  	p1 =	seq.s32 s10, $0x1;
	s10 =	sld [smem:$0x3FAC];
	_ =	sdelay $0x3  }
0x37: {  	[smem:$0x3FAC] =	sst s10  }
0x38: {  	s10 =	sld [smem:$0x3FAD]  }
0x39: {  	_ = 	snop;
	(pc) =	sbr.ind lr, $3  }
0x3a: {  	_ = 	snop  }
0x3b: {  	_ = 	snop  }
0x3c: {  	p2 =	seq.s32 s10, $0x1;
	s10 =	sld [smem:$0x3FAC]  }
0x3d: {  	_ =	shalt  }
0x3e: {  	_ =	shalt  }
0x3f: {  	_ =	shalt  }
0x40: {  	_ =	shalt  }
0x41: {  	_ =	shalt  }
0x42: {  	_ =	shalt  }
0x43: {  	_ =	shalt  }
0x44: {  	_ =	shalt  }
0x45: {  	_ =	shalt  }
0x46: {  	_ =	shalt  }
0x47: {  	_ =	shalt  }
0x48: {  	_ =	shalt  }
0x49: {  	_ =	shalt  }
0x4a: {  	_ =	shalt  }
0x4b: {  	_ =	shalt  }
0x4c: {  	_ =	shalt  }
0x4d: {  	_ =	shalt  }
0x4e: {  	_ =	shalt  }
0x4f: {  	_ =	shalt  }
0x50: {  	_ =	shalt  }
0x51: {  	_ =	shalt  }
0x52: {  	_ =	shalt  }
0x53: {  	_ =	shalt  }
0x54: {  	_ =	shalt  }
0x55: {  	_ =	shalt  }
0x56: {  	_ =	shalt  }
0x57: {  	_ =	shalt  }
0x58: {  	_ =	shalt  }
0x59: {  	_ =	shalt  }
0x5a: {  	_ =	shalt  }
0x5b: {  	_ =	shalt  }
0x5c: {  	_ =	shalt  }
0x5d: {  	_ =	shalt  }
0x5e: {  	_ =	shalt  }
0x5f: {  	_ =	shalt  }
0x60: {  	_ =	shalt  }
0x61: {  	_ =	shalt  }
0x62: {  	_ =	shalt  }
0x63: {  	_ =	shalt  }
0x64: {  	_ =	shalt  }
0x65: {  	_ =	shalt  }
0x66: {  	_ =	shalt  }
0x67: {  	_ =	shalt  }
0x68: {  	_ =	shalt  }
0x69: {  	_ =	shalt  }
0x6a: {  	_ =	shalt  }
0x6b: {  	_ =	shalt  }
0x6c: {  	_ =	shalt  }
0x6d: {  	_ =	shalt  }
0x6e: {  	_ =	shalt  }
0x6f: {  	_ =	shalt  }
0x70: {  	_ =	shalt  }
0x71: {  	_ =	shalt  }
0x72: {  	_ =	shalt  }
0x73: {  	_ =	shalt  }
0x74: {  	_ =	shalt  }
0x75: {  	_ =	shalt  }
0x76: {  	_ =	shalt  }
0x77: {  	_ =	shalt  }
0x78: {  	_ =	shalt  }
0x79: {  	_ =	shalt  }
0x7a: {  	_ =	shalt  }
0x7b: {  	_ =	shalt  }
0x7c: {  	_ =	shalt  }
0x7d: {  	_ =	shalt  }
0x7e: {  	_ =	shalt  }
0x7f: {  	_ =	shalt  }
0x80: {  	_ =	shalt  }
0x81: {  	_ =	shalt  }
0x82: {  	_ =	shalt  }
0x83: {  	_ =	shalt  }
0x84: {  	_ =	shalt  }
0x85: {  	_ =	shalt  }
0x86: {  	_ =	shalt  }
0x87: {  	_ =	shalt  }
.Lfunc_end0:
.L_simem_size_0:
called_computation_lowered:
.L_overlay_start_0:
0x88: {  	s2 =	sld [smem:$0x3FD9]  }
0x89: {  	s3 =	sld [smem:$0x3FFE];
	_ =	sdelay $0x1  }
0x8a: {  	s1 =	srdreg.scid  }
0x8b: {  	s0 =	sand.u32 $0x1, s1  }
0x8c: {  	s15 =	sshll.u32 s0, $0xA;
	s2 =	sadd.s32 s3, s2  }
0x8d: {  	s2 =	sadd.s32 s2, s15  }
0x8e: {  	[smem:$0x3FB8] =	sst s2  }
0x8f: {  	_ = 	snop  }
0x90: {  	s2 =	sld [smem:$0x3FD0];
	_ =	sdelay $0x2  }
0x91: {  	s4 =	simm.s32 $0xA;
	s5 =	simm.s32 $0x10;
	s16 =	sld [smem:$0x3FC0]  }
0x92: {  	[smem:s5], [sflag:s4] =	dma.local [hbm:s2], $0x1  }
0x93: {  	_ =	swait.eq [sflag:s4], $0x1  }
0x94: {  	[sflag:s4] =	ssyncset.done $0x0  }
0x95: {  	s17 =	sld [smem:$0x12];
	[sflag:s4] =	ssyncadd.s32 $0xFFFFFFFF  }
0x96: {  	s18 =	sld [smem:$0x13];
	(tm) =	ssettm $0x1  }
0x97: {  	s19 =	sld [smem:$0x3FFB];
	_ =	sdelay $0x3  }
0x98: {  	_ =	strace s19  }
0x99: {  	s5 =	sld [smem:$0x3FFC];
	_ =	sdelay $0x3  }
0x9a: {  	_ =	strace s5  }
0x9b: {  	s5 =	sld [smem:$0x3FFD];
	_ =	sdelay $0x3  }
0x9c: {  	_ =	strace s5  }
0x9d: {  	_ =	strace $0x8FFFFFFF  }
0x9e: {  	s20 =	sld [smem:$0x3FDB];
	_ =	sdelay $0x1  }
0x9f: {  	s6 =	simm.s32 $_scs_section_size  }
0xa0: {  	s7 =	simm.s32 $_size__tile_overlayer_lowered;
	s8 =	simm.s32 $_tile_overlayer_lowered  }
0xa1: {  	s23 =	simm.s32 $0x1BFF;
	s22 =	sshll.u32 s8, $0x1;
	s5 =	sadd.s32 s6, s20  }
0xa2: {  	s9 =	simm.s32 $0x0;
	s21 =	sshll.u32 s7, $0x1;
	s7 =	sadd.s32 s22, s5  }
0xa3: {  	[timem:s9], [sflag:s23] =	dma.local [hbm:s7], s21  }
0xa4: {  	_ =	swait.ge [sflag:s23], s21  }
0xa5: {  	s6 =	ssub.s32 $0x0, s21;
	[sflag:s23] =	ssyncset.done $0x0  }
0xa6: {  	[sflag:s23] =	ssyncadd.s32 s6;
	_ =	sdelay $0x1  }
0xa7: {  	s24 =	simm.s32 $0x1B8B  }
0xa8: {  	_ =	swait.ge [sflag:s24], $0x1  }
0xa9: {  	[sflag:s24] =	ssyncset.done $0x0  }
0xaa: {  	s25 =	simm.s32 $0x1B8E;
	[sflag:s24] =	ssyncadd.s32 $0xFFFFFFFF  }
0xab: {  	s26 =	simm.s32 $execute0_lowered;
	[smem:$0x3FD2] =	sst s25  }
0xac: {  	s6 =	sshll.u32 s26, $0x1;
	_ =	strace $0x80000046;
	[dreg:$0x1] =	wrdreg $0xFFFFFFFF  }
0xad: {  	s28 =	simm.s32 $_size_execute0_lowered;
	s5 =	sadd.s32 s5, s6;
	[dreg:$0x0] =	wrdreg $0x0  }
0xae: {  	s6 =	sshll.u32 s28, $0x1;
	[dreg:$0x2] =	wrdreg s5  }
0xaf: {  	[dreg:$0x3] =	wrdreg s6  }
0xb0: {  	[dreg:$0x4] =	wrdreg $0xC0  }
0xb1: {  	_ =	task [dreg:s9], $0x5FFFF  }
0xb2: {  	[dreg:$0x1] =	wrdreg $0xFFFFFFFF  }
0xb3: {  	[dreg:$0x0] =	wrdreg $0x60  }
0xb4: {  	[dreg:$0x2] =	wrdreg s16  }
0xb5: {  	[dreg:$0x3] =	wrdreg s18  }
0xb6: {  	[dreg:$0x4] =	wrdreg s17  }
0xb7: {  	[dreg:$0x5] =	wrdreg $0x9  }
0xb8: {  	_ =	task.clear_ibuf [dreg:s9], $0x6FFFF;
	_ =	strace $0x90000046  }
0xb9: {  	s29 =	simm.s32 $0x9;
	_ =	strace $0x80000048  }
0xba: {  	_ =	swait.ge [sflag:s29], $0x1  }
0xbb: {  	[sflag:s29] =	ssyncadd.s32 $0xFFFFFFFF  }
0xbc: {  	_ =	strace $0x90000048  }
0xbd: {  	_ =	sfence  }
0xbe: {  	s30 =	sld [smem:$0x0];
	_ =	sdelay $0x2  }
0xbf: {  	s31 =	sshll.u32 s1, $0xD;
	s1 =	sshrl.u32 s1, $0x2  }
0xc0: {  	s3 =	sand.u32 $0x4000, s31;
	s1 =	sadd.s32 s1, s30  }
0xc1: {  	s0 =	sor.u32 s3, s0;
	s1 =	sshll.u32 s1, $0x11  }
0xc2: {  	s0 =	sor.u32 s1, s0  }
0xc3: {  	s0 =	sadd.s32 $0x8F2B, s0  }
0xc4: {  	[sflag:s0] =	ssyncadd.remote.s32 $0x1  }
0xc5: {  	_ =	sfence.sel $0xFFFF  }
0xc6: {  	[dreg:$0x0] =	wrdreg $0xFFFFFFFF;
	(pc) =	sbr.abs _section_cstart, $3  }
0xc7: {  	[dreg:$0x1] =	wrdreg $0xFFFFFFFF  }
0xc8: {  	_ =	task.clear_ibuf [dreg:s9], $0x2FFFF;
	_ =	strace $0x9FFFFFFF  }
0xc9: {  	(tm) =	ssettm $0x7FFFFFFF  }
tec
execute0_lowered:
.L_overlay_start_1:
0x0: {  	(tag) =	ssettag $0x1  }
0x1: {  	s1 =	rddreg [dreg:$0x0];
	s0 =	srdreg.scid  }
0x2: {  	s2 =	rddreg [dreg:$0x1];
	s3 =	stileid.u32  }
0x3: {  	s4 =	rddreg [dreg:$0x2];
	s24 =	simm.s32 $0x80;
	s25 =	simm.s32 $0x100  }
0x4: {  	s26 =	simm.s32 $0x180;
	s28 =	simm.s32 $0x5A00;
	s29 =	simm.s32 $0x6200  }
0x5: {  	s30 =	simm.s32 $0x6A00;
	s31 =	simm.s32 $0x7200;
	s11 =	simm.s32 $0xB200  }
0x6: {  	s0 =	sand.u32 $0x1, s0;
	s5 =	sshll.u32 s3, $0xA;
	s3 =	simm.s32 $0x0  }
0x7: {  	s12 =	simm.s32 $0xBA00;
	s6 =	sshll.u32 s0, $0x9;
	[smem:$0x7FF] =	sst s3  }
0x8: {  	s0 =	ssub.s32 $0x2, s0;
	_ =	strace $0x80000047;
	[dreg:$0xc] =	wrdreg s24  }
0x9: {  	s5 =	sor.u32 s6, s5;
	s23 =	sshrl.u32 s0, $0x1;
	[dreg:$0xd] =	wrdreg s25  }
0xa: {  	[dreg:$0xe] =	wrdreg s26;
	s24 =	simm.s32 $0x4200;
	s25 =	simm.s32 $0x4A00  }
0xb: {  	s26 =	simm.s32 $0x5200;
	s6 =	sshrl.u32 s5, $0x3;
	s7 =	sor.u32 $0x80, s5  }
0xc: {  	s8 =	sor.u32 $0x100, s5;
	s10 =	sor.u32 $0x180, s5;
	s5 =	sshll.u32 s5, $0x5  }
0xd: {  	s0 =	ssub.s32 s0, s23;
	s23 =	simm.s32 $0x200;
	s6 =	sadd.s32 s2, s6  }
0xe: {  	s13 =	sshrl.u32 s7, $0x3;
	s9 =	sshrl.u32 s8, $0x3;
	s15 =	sshrl.u32 s10, $0x3  }
0xf: {  	s16 =	sadd.s32 s4, s5;
	s17 =	sshll.u32 s7, $0x5;
	s19 =	sshll.u32 s8, $0x5  }
0x10: {  	s21 =	sshll.u32 s10, $0x5;
	s5 =	simm.s32 $0x3;
	s7 =	simm.s32 $0x9200  }
0x11: {  	s8 =	simm.s32 $0x9A00;
	s10 =	simm.s32 $0xAA00;
	[dreg:$0x4] =	wrdreg s6  }
0x12: {  	s6 =	sadd.s32 s2, s13;
	s14 =	sadd.s32 s2, s9;
	[dreg:$0x8] =	wrdreg s16  }
0x13: {  	s2 =	sadd.s32 s2, s15;
	s18 =	sadd.s32 s4, s17;
	[dreg:$0x5] =	wrdreg s6  }
0x14: {  	s20 =	sadd.s32 s4, s19;
	s22 =	sadd.s32 s4, s21;
	[dreg:$0x6] =	wrdreg s14  }
0x15: {  	s4 =	smax.u32 s0, $0x1;
	s16 =	simm.s32 $0x1200;
	[dreg:$0x7] =	wrdreg s2  }
0x16: {  	s17 =	simm.s32 $0x1A00;
	s19 =	simm.s32 $0x2A00;
	[dreg:$0x9] =	wrdreg s18  }
0x17: {  	v2 =	vlaneseq.u32;
	s21 =	simm.s32 $0x3A00;
	s13 =	simm.s32 $0x1;
	[dreg:$0xa] =	wrdreg s20  }
0x18: {  	vm0 =	vmmov $0xffff;
	v1 =	vshrl.u32 v2, $0x3;
	s9 =	simm.s32 $0xA200;
	[dreg:$0xb] =	wrdreg s22;
	s18 =	simm.s32 $0x2200  }
0x19: {  	v0 =	vand.u32 $0x7, v2;
	v2 =	vor.u32 $0x8, v2;
	v1 =	vmul.u32 $0x8, v1;
	s20 =	simm.s32 $0x3200;
	s22 =	simm.s32 $0x8200;
	s6 =	simm.s32 $0xC200  }
.LBB2_1:
0x1a: {  	s14 =	rddreg [dreg:$0x4]  }
0x1b: {  	[tilespmem:s3], [sflag:$0x3] =	stream.linear.gather [hbm4b:s14+s3], $0x80, $0x38;
	[tilespmem:$0x10200] =	vst v63  }
0x1c: {  	_ =	swait.ge [sflag:s5], $0x80  }
0x1d: {  	s2 =	rddreg [dreg:$0x5];
	[sflag:s5] =	ssyncset.done $0x0  }
0x1e: {  	s15 =	rddreg [dreg:$0xc];
	[sflag:s5] =	ssyncadd.s32 $0xFFFFFF80  }
0x1f: {  	[tilespmem:s15], [sflag:$0x3] =	stream.linear.gather [hbm4b:s2+s3], $0x80, $0x38;
	[tilespmem:$0x10200] =	vst v63  }
0x20: {  	_ =	swait.ge [sflag:s5], $0x80  }
0x21: {  	s0 =	rddreg [dreg:$0x6];
	[sflag:s5] =	ssyncset.done $0x0  }
0x22: {  	s2 =	rddreg [dreg:$0xd];
	[sflag:s5] =	ssyncadd.s32 $0xFFFFFF80  }
0x23: {  	[tilespmem:s2], [sflag:$0x3] =	stream.linear.gather [hbm4b:s0+s3], $0x80, $0x38;
	[tilespmem:$0x10200] =	vst v63  }
0x24: {  	_ =	swait.ge [sflag:s5], $0x80  }
0x25: {  	s0 =	rddreg [dreg:$0x7];
	[sflag:s5] =	ssyncset.done $0x0  }
0x26: {  	s2 =	rddreg [dreg:$0xe];
	[sflag:s5] =	ssyncadd.s32 $0xFFFFFF80  }
0x27: {  	[tilespmem:s2], [sflag:$0x3] =	stream.linear.gather [hbm4b:s0+s3], $0x80, $0x38;
	[tilespmem:$0x10200] =	vst v63  }
0x28: {  	_ =	swait.ge [sflag:s5], $0x80  }
0x29: {  	[sflag:s5] =	ssyncset.done $0x0  }
0x2a: {  	[sflag:s5] =	ssyncadd.s32 $0xFFFFFF80  }
0x2b: {  	v3 =	vld [tilespmem:$0x0];
	_ =	sdelay $0x4  }
0x2c: {  	v4 =	vshll.u32 v3, $0x1  }
0x2d: {  	v3 =	vand.u32 $0x7, v3;
	v4 =	vand.u32 $0xFFFFFFF0, v4  }
0x2e: {  	v3 =	vor.u32 v3, v4  }
0x2f: {  	v4 =	vperm.xlane v3, v0;
	_ =	sdelay $0x1  }
0x30: {  	v3 =	vperm.xlane v3, v2;
	v4 =	vadd.s32 v1, v4;
	_ =	sdelay $0x1  }
0x31: {  	v3 =	vadd.s32 v1, v3;
	_ =	sdelay $0x2  }
0x32: {  	[tilespmem:s23], [sflag:$0x1] =	stream.indirect_vreg.gather [hbm4b:s1+s3], $0x80, v4, vm0, $0xb8;
	[tilespmem:$0x10200] =	vst v63  }
0x33: {  	s15 =	simm.s32 $0xA00  }
0x34: {  	[tilespmem:s15], [sflag:$0x1] =	stream.indirect_vreg.gather [hbm4b:s1+s3], $0x80, v3, vm0, $0xb8;
	[tilespmem:$0x10200] =	vst v63  }
0x35: {  	v3 =	vld [tilespmem:$0x10];
	_ =	sdelay $0x4  }
0x36: {  	v33 =	vshll.u32 v3, $0x1  }
0x37: {  	v3 =	vand.u32 $0x7, v3;
	v4 =	vand.u32 $0xFFFFFFF0, v33  }
0x38: {  	v3 =	vor.u32 v3, v4  }
0x39: {  	v4 =	vperm.xlane v3, v0;
	_ =	sdelay $0x1  }
0x3a: {  	v3 =	vperm.xlane v3, v2;
	v4 =	vadd.s32 v1, v4;
	_ =	sdelay $0x1  }
0x3b: {  	v3 =	vadd.s32 v1, v3;
	_ =	sdelay $0x2  }
0x3c: {  	[tilespmem:s16], [sflag:$0x1] =	stream.indirect_vreg.gather [hbm4b:s1+s3], $0x80, v4, vm0, $0xb8;
	[tilespmem:$0x10200] =	vst v63  }
0x3d: {  	_ = 	snop  }
0x3e: {  	[tilespmem:s17], [sflag:$0x1] =	stream.indirect_vreg.gather [hbm4b:s1+s3], $0x80, v3, vm0, $0xb8;
	[tilespmem:$0x10200] =	vst v63  }
0x3f: {  	v3 =	vld [tilespmem:$0x20];
	_ =	sdelay $0x4  }
0x40: {  	v34 =	vshll.u32 v3, $0x1  }
0x41: {  	v3 =	vand.u32 $0x7, v3;
	v4 =	vand.u32 $0xFFFFFFF0, v34  }
0x42: {  	v3 =	vor.u32 v3, v4  }
0x43: {  	v4 =	vperm.xlane v3, v0;
	_ =	sdelay $0x1  }
0x44: {  	v3 =	vperm.xlane v3, v2;
	v4 =	vadd.s32 v1, v4;
	_ =	sdelay $0x1  }
0x45: {  	v3 =	vadd.s32 v1, v3;
	_ =	sdelay $0x2  }
0x46: {  	[tilespmem:s18], [sflag:$0x1] =	stream.indirect_vreg.gather [hbm4b:s1+s3], $0x80, v4, vm0, $0xb8;
	[tilespmem:$0x10200] =	vst v63  }
0x47: {  	_ = 	snop  }
0x48: {  	[tilespmem:s19], [sflag:$0x1] =	stream.indirect_vreg.gather [hbm4b:s1+s3], $0x80, v3, vm0, $0xb8;
	[tilespmem:$0x10200] =	vst v63  }
0x49: {  	v3 =	vld [tilespmem:$0x30];
	_ =	sdelay $0x4  }
0x4a: {  	v35 =	vshll.u32 v3, $0x1  }
0x4b: {  	v3 =	vand.u32 $0x7, v3;
	v4 =	vand.u32 $0xFFFFFFF0, v35  }
0x4c: {  	v3 =	vor.u32 v3, v4  }
0x4d: {  	v4 =	vperm.xlane v3, v0;
	_ =	sdelay $0x1  }
0x4e: {  	v3 =	vperm.xlane v3, v2;
	v4 =	vadd.s32 v1, v4;
	_ =	sdelay $0x1  }
0x4f: {  	v3 =	vadd.s32 v1, v3;
	_ =	sdelay $0x2  }
0x50: {  	[tilespmem:s20], [sflag:$0x1] =	stream.indirect_vreg.gather [hbm4b:s1+s3], $0x80, v4, vm0, $0xb8;
	[tilespmem:$0x10200] =	vst v63  }
0x51: {  	_ = 	snop  }
0x52: {  	[tilespmem:s21], [sflag:$0x1] =	stream.indirect_vreg.gather [hbm4b:s1+s3], $0x80, v3, vm0, $0xb8;
	[tilespmem:$0x10200] =	vst v63  }
0x53: {  	v3 =	vld [tilespmem:$0x40];
	_ =	sdelay $0x4  }
0x54: {  	v36 =	vshll.u32 v3, $0x1  }
0x55: {  	v3 =	vand.u32 $0x7, v3;
	v4 =	vand.u32 $0xFFFFFFF0, v36  }
0x56: {  	v3 =	vor.u32 v3, v4  }
0x57: {  	v4 =	vperm.xlane v3, v0;
	_ =	sdelay $0x1  }
0x58: {  	v3 =	vperm.xlane v3, v2;
	v4 =	vadd.s32 v1, v4;
	_ =	sdelay $0x1  }
0x59: {  	v3 =	vadd.s32 v1, v3;
	_ =	sdelay $0x2  }
0x5a: {  	[tilespmem:s24], [sflag:$0x1] =	stream.indirect_vreg.gather [hbm4b:s1+s3], $0x80, v4, vm0, $0xb8;
	[tilespmem:$0x10200] =	vst v63  }
0x5b: {  	_ = 	snop  }
0x5c: {  	[tilespmem:s25], [sflag:$0x1] =	stream.indirect_vreg.gather [hbm4b:s1+s3], $0x80, v3, vm0, $0xb8;
	[tilespmem:$0x10200] =	vst v63  }
0x5d: {  	v3 =	vld [tilespmem:$0x50];
	_ =	sdelay $0x4  }
0x5e: {  	v37 =	vshll.u32 v3, $0x1  }
0x5f: {  	v3 =	vand.u32 $0x7, v3;
	v4 =	vand.u32 $0xFFFFFFF0, v37  }
0x60: {  	v3 =	vor.u32 v3, v4  }
0x61: {  	v4 =	vperm.xlane v3, v0;
	_ =	sdelay $0x1  }
0x62: {  	v3 =	vperm.xlane v3, v2;
	v4 =	vadd.s32 v1, v4;
	_ =	sdelay $0x1  }
0x63: {  	v3 =	vadd.s32 v1, v3;
	_ =	sdelay $0x2  }
0x64: {  	[tilespmem:s26], [sflag:$0x1] =	stream.indirect_vreg.gather [hbm4b:s1+s3], $0x80, v4, vm0, $0xb8;
	[tilespmem:$0x10200] =	vst v63  }
0x65: {  	_ = 	snop  }
0x66: {  	[tilespmem:s28], [sflag:$0x1] =	stream.indirect_vreg.gather [hbm4b:s1+s3], $0x80, v3, vm0, $0xb8;
	[tilespmem:$0x10200] =	vst v63  }
0x67: {  	v3 =	vld [tilespmem:$0x60];
	_ =	sdelay $0x4  }
0x68: {  	v38 =	vshll.u32 v3, $0x1  }
0x69: {  	v3 =	vand.u32 $0x7, v3;
	v4 =	vand.u32 $0xFFFFFFF0, v38  }
0x6a: {  	v3 =	vor.u32 v3, v4  }
0x6b: {  	v4 =	vperm.xlane v3, v0;
	_ =	sdelay $0x1  }
0x6c: {  	v3 =	vperm.xlane v3, v2;
	v4 =	vadd.s32 v1, v4;
	_ =	sdelay $0x1  }
0x6d: {  	v3 =	vadd.s32 v1, v3;
	_ =	sdelay $0x2  }
0x6e: {  	[tilespmem:s29], [sflag:$0x1] =	stream.indirect_vreg.gather [hbm4b:s1+s3], $0x80, v4, vm0, $0xb8;
	[tilespmem:$0x10200] =	vst v63  }
0x6f: {  	_ = 	snop  }
0x70: {  	[tilespmem:s30], [sflag:$0x1] =	stream.indirect_vreg.gather [hbm4b:s1+s3], $0x80, v3, vm0, $0xb8;
	[tilespmem:$0x10200] =	vst v63  }
0x71: {  	v3 =	vld [tilespmem:$0x70];
	_ =	sdelay $0x4  }
0x72: {  	v39 =	vshll.u32 v3, $0x1  }
0x73: {  	v3 =	vand.u32 $0x7, v3;
	v4 =	vand.u32 $0xFFFFFFF0, v39  }
0x74: {  	v3 =	vor.u32 v3, v4  }
0x75: {  	v4 =	vperm.xlane v3, v0;
	_ =	sdelay $0x1  }
0x76: {  	v3 =	vperm.xlane v3, v2;
	v4 =	vadd.s32 v1, v4;
	_ =	sdelay $0x1  }
0x77: {  	v3 =	vadd.s32 v1, v3;
	_ =	sdelay $0x2  }
0x78: {  	[tilespmem:s31], [sflag:$0x1] =	stream.indirect_vreg.gather [hbm4b:s1+s3], $0x80, v4, vm0, $0xb8;
	[tilespmem:$0x10200] =	vst v63  }
0x79: {  	s2 =	simm.s32 $0x7A00  }
0x7a: {  	[tilespmem:s2], [sflag:$0x1] =	stream.indirect_vreg.gather [hbm4b:s1+s3], $0x80, v3, vm0, $0xb8;
	[tilespmem:$0x10200] =	vst v63  }
0x7b: {  	_ =	swait.ge [sflag:s13], $0x8000  }
0x7c: {  	[sflag:s13] =	ssyncset.done $0x0  }
0x7d: {  	s0 =	rddreg [dreg:$0x8];
	[sflag:s13] =	ssyncadd.s32 $0xFFFF8000  }
0x7e: {  	[hbm4b:s0+s3] =	stream.linear.scatter [tilespmem:s23], [sflag:$0x3], $0x8000, $0x38;
	[tilespmem:$0x10200] =	vst v63  }
0x7f: {  	_ =	swait.ge [sflag:s5], $0x8000  }
0x80: {  	[sflag:s5] =	ssyncset.done $0x0  }
0x81: {  	[sflag:s5] =	ssyncadd.s32 $0xFFFF8000  }
0x82: {  	v3 =	vld [tilespmem:$0x80];
	_ =	sdelay $0x4  }
0x83: {  	v40 =	vshll.u32 v3, $0x1  }
0x84: {  	v3 =	vand.u32 $0x7, v3;
	v4 =	vand.u32 $0xFFFFFFF0, v40  }
0x85: {  	v3 =	vor.u32 v3, v4  }
0x86: {  	v4 =	vperm.xlane v3, v0;
	_ =	sdelay $0x1  }
0x87: {  	v3 =	vperm.xlane v3, v2;
	v4 =	vadd.s32 v1, v4;
	_ =	sdelay $0x1  }
0x88: {  	v3 =	vadd.s32 v1, v3;
	_ =	sdelay $0x2  }
0x89: {  	[tilespmem:s22], [sflag:$0x2] =	stream.indirect_vreg.gather [hbm4b:s1+s3], $0x80, v4, vm0, $0xb8;
	[tilespmem:$0x10200] =	vst v63  }
0x8a: {  	s0 =	simm.s32 $0x8A00  }
0x8b: {  	[tilespmem:s0], [sflag:$0x2] =	stream.indirect_vreg.gather [hbm4b:s1+s3], $0x80, v3, vm0, $0xb8;
	[tilespmem:$0x10200] =	vst v63  }
0x8c: {  	v3 =	vld [tilespmem:$0x90];
	_ =	sdelay $0x4  }
0x8d: {  	v41 =	vshll.u32 v3, $0x1  }
0x8e: {  	v3 =	vand.u32 $0x7, v3;
	v4 =	vand.u32 $0xFFFFFFF0, v41  }
0x8f: {  	v3 =	vor.u32 v3, v4  }
0x90: {  	v4 =	vperm.xlane v3, v0;
	_ =	sdelay $0x1  }
0x91: {  	v3 =	vperm.xlane v3, v2;
	v4 =	vadd.s32 v1, v4;
	_ =	sdelay $0x1  }
0x92: {  	v3 =	vadd.s32 v1, v3;
	_ =	sdelay $0x2  }
0x93: {  	[tilespmem:s7], [sflag:$0x2] =	stream.indirect_vreg.gather [hbm4b:s1+s3], $0x80, v4, vm0, $0xb8;
	[tilespmem:$0x10200] =	vst v63  }
0x94: {  	_ = 	snop  }
0x95: {  	[tilespmem:s8], [sflag:$0x2] =	stream.indirect_vreg.gather [hbm4b:s1+s3], $0x80, v3, vm0, $0xb8;
	[tilespmem:$0x10200] =	vst v63  }
0x96: {  	v3 =	vld [tilespmem:$0xA0];
	_ =	sdelay $0x4  }
0x97: {  	v42 =	vshll.u32 v3, $0x1  }
0x98: {  	v3 =	vand.u32 $0x7, v3;
	v4 =	vand.u32 $0xFFFFFFF0, v42  }
0x99: {  	v3 =	vor.u32 v3, v4  }
0x9a: {  	v4 =	vperm.xlane v3, v0;
	_ =	sdelay $0x1  }
0x9b: {  	v3 =	vperm.xlane v3, v2;
	v4 =	vadd.s32 v1, v4;
	_ =	sdelay $0x1  }
0x9c: {  	v3 =	vadd.s32 v1, v3;
	_ =	sdelay $0x2  }
0x9d: {  	[tilespmem:s9], [sflag:$0x2] =	stream.indirect_vreg.gather [hbm4b:s1+s3], $0x80, v4, vm0, $0xb8;
	[tilespmem:$0x10200] =	vst v63  }
0x9e: {  	_ = 	snop  }
0x9f: {  	[tilespmem:s10], [sflag:$0x2] =	stream.indirect_vreg.gather [hbm4b:s1+s3], $0x80, v3, vm0, $0xb8;
	[tilespmem:$0x10200] =	vst v63  }
0xa0: {  	v3 =	vld [tilespmem:$0xB0];
	_ =	sdelay $0x4  }
0xa1: {  	v43 =	vshll.u32 v3, $0x1  }
0xa2: {  	v3 =	vand.u32 $0x7, v3;
	v4 =	vand.u32 $0xFFFFFFF0, v43  }
0xa3: {  	v3 =	vor.u32 v3, v4  }
0xa4: {  	v4 =	vperm.xlane v3, v0;
	_ =	sdelay $0x1  }
0xa5: {  	v3 =	vperm.xlane v3, v2;
	v4 =	vadd.s32 v1, v4;
	_ =	sdelay $0x1  }
0xa6: {  	v3 =	vadd.s32 v1, v3;
	_ =	sdelay $0x2  }
0xa7: {  	[tilespmem:s11], [sflag:$0x2] =	stream.indirect_vreg.gather [hbm4b:s1+s3], $0x80, v4, vm0, $0xb8;
	[tilespmem:$0x10200] =	vst v63  }
0xa8: {  	_ = 	snop  }
0xa9: {  	[tilespmem:s12], [sflag:$0x2] =	stream.indirect_vreg.gather [hbm4b:s1+s3], $0x80, v3, vm0, $0xb8;
	[tilespmem:$0x10200] =	vst v63  }
0xaa: {  	v3 =	vld [tilespmem:$0xC0];
	_ =	sdelay $0x4  }
0xab: {  	v44 =	vshll.u32 v3, $0x1  }
0xac: {  	v3 =	vand.u32 $0x7, v3;
	v4 =	vand.u32 $0xFFFFFFF0, v44  }
0xad: {  	v3 =	vor.u32 v3, v4  }
0xae: {  	v4 =	vperm.xlane v3, v0;
	_ =	sdelay $0x1  }
0xaf: {  	v3 =	vperm.xlane v3, v2;
	v4 =	vadd.s32 v1, v4;
	_ =	sdelay $0x1  }
0xb0: {  	v3 =	vadd.s32 v1, v3;
	_ =	sdelay $0x2  }
0xb1: {  	[tilespmem:s6], [sflag:$0x2] =	stream.indirect_vreg.gather [hbm4b:s1+s3], $0x80, v4, vm0, $0xb8;
	[tilespmem:$0x10200] =	vst v63  }
0xb2: {  	s14 =	simm.s32 $0xCA00  }
0xb3: {  	[tilespmem:s14], [sflag:$0x2] =	stream.indirect_vreg.gather [hbm4b:s1+s3], $0x80, v3, vm0, $0xb8;
	[tilespmem:$0x10200] =	vst v63  }
0xb4: {  	v3 =	vld [tilespmem:$0xD0];
	_ =	sdelay $0x4  }
0xb5: {  	v45 =	vshll.u32 v3, $0x1  }
0xb6: {  	v3 =	vand.u32 $0x7, v3;
	v4 =	vand.u32 $0xFFFFFFF0, v45  }
0xb7: {  	v3 =	vor.u32 v3, v4  }
0xb8: {  	v4 =	vperm.xlane v3, v0;
	_ =	sdelay $0x1  }
0xb9: {  	v3 =	vperm.xlane v3, v2;
	v4 =	vadd.s32 v1, v4;
	_ =	sdelay $0x1  }
0xba: {  	v3 =	vadd.s32 v1, v3;
	_ =	sdelay $0x1  }
0xbb: {  	s14 =	simm.s32 $0xD200  }
0xbc: {  	[tilespmem:s14], [sflag:$0x2] =	stream.indirect_vreg.gather [hbm4b:s1+s3], $0x80, v4, vm0, $0xb8;
	[tilespmem:$0x10200] =	vst v63  }
0xbd: {  	s14 =	simm.s32 $0xDA00  }
0xbe: {  	[tilespmem:s14], [sflag:$0x2] =	stream.indirect_vreg.gather [hbm4b:s1+s3], $0x80, v3, vm0, $0xb8;
	[tilespmem:$0x10200] =	vst v63  }
0xbf: {  	v3 =	vld [tilespmem:$0xE0];
	_ =	sdelay $0x4  }
0xc0: {  	v46 =	vshll.u32 v3, $0x1  }
0xc1: {  	v3 =	vand.u32 $0x7, v3;
	v4 =	vand.u32 $0xFFFFFFF0, v46  }
0xc2: {  	v3 =	vor.u32 v3, v4  }
0xc3: {  	v4 =	vperm.xlane v3, v0;
	_ =	sdelay $0x1  }
0xc4: {  	v3 =	vperm.xlane v3, v2;
	v4 =	vadd.s32 v1, v4;
	_ =	sdelay $0x1  }
0xc5: {  	v3 =	vadd.s32 v1, v3;
	_ =	sdelay $0x1  }
0xc6: {  	s14 =	simm.s32 $0xE200  }
0xc7: {  	[tilespmem:s14], [sflag:$0x2] =	stream.indirect_vreg.gather [hbm4b:s1+s3], $0x80, v4, vm0, $0xb8;
	[tilespmem:$0x10200] =	vst v63  }
0xc8: {  	s14 =	simm.s32 $0xEA00  }
0xc9: {  	[tilespmem:s14], [sflag:$0x2] =	stream.indirect_vreg.gather [hbm4b:s1+s3], $0x80, v3, vm0, $0xb8;
	[tilespmem:$0x10200] =	vst v63  }
0xca: {  	v3 =	vld [tilespmem:$0xF0];
	_ =	sdelay $0x4  }
0xcb: {  	v47 =	vshll.u32 v3, $0x1  }
0xcc: {  	v3 =	vand.u32 $0x7, v3;
	v4 =	vand.u32 $0xFFFFFFF0, v47  }
0xcd: {  	v3 =	vor.u32 v3, v4  }
0xce: {  	v4 =	vperm.xlane v3, v0;
	_ =	sdelay $0x1  }
0xcf: {  	v3 =	vperm.xlane v3, v2;
	v4 =	vadd.s32 v1, v4;
	_ =	sdelay $0x1  }
0xd0: {  	v3 =	vadd.s32 v1, v3;
	_ =	sdelay $0x1  }
0xd1: {  	s14 =	simm.s32 $0xF200  }
0xd2: {  	[tilespmem:s14], [sflag:$0x2] =	stream.indirect_vreg.gather [hbm4b:s1+s3], $0x80, v4, vm0, $0xb8;
	[tilespmem:$0x10200] =	vst v63  }
0xd3: {  	s0 =	simm.s32 $0x2;
	s14 =	simm.s32 $0xFA00  }
0xd4: {  	[tilespmem:s14], [sflag:$0x2] =	stream.indirect_vreg.gather [hbm4b:s1+s3], $0x80, v3, vm0, $0xb8;
	[tilespmem:$0x10200] =	vst v63  }
0xd5: {  	_ =	swait.ge [sflag:s0], $0x8000  }
0xd6: {  	[sflag:s0] =	ssyncset.done $0x0  }
0xd7: {  	s14 =	rddreg [dreg:$0x9];
	[sflag:s0] =	ssyncadd.s32 $0xFFFF8000  }
0xd8: {  	[hbm4b:s14+s3] =	stream.linear.scatter [tilespmem:s22], [sflag:$0x3], $0x8000, $0x38;
	[tilespmem:$0x10200] =	vst v63  }
0xd9: {  	_ =	swait.ge [sflag:s5], $0x8000  }
0xda: {  	[sflag:s5] =	ssyncset.done $0x0  }
0xdb: {  	[sflag:s5] =	ssyncadd.s32 $0xFFFF8000  }
0xdc: {  	v3 =	vld [tilespmem:$0x100];
	_ =	sdelay $0x4  }
0xdd: {  	v48 =	vshll.u32 v3, $0x1  }
0xde: {  	v3 =	vand.u32 $0x7, v3;
	v4 =	vand.u32 $0xFFFFFFF0, v48  }
0xdf: {  	v3 =	vor.u32 v3, v4  }
0xe0: {  	v4 =	vperm.xlane v3, v0;
	_ =	sdelay $0x1  }
0xe1: {  	v3 =	vperm.xlane v3, v2;
	v4 =	vadd.s32 v1, v4;
	_ =	sdelay $0x1  }
0xe2: {  	v3 =	vadd.s32 v1, v3;
	_ =	sdelay $0x2  }
0xe3: {  	[tilespmem:s23], [sflag:$0x1] =	stream.indirect_vreg.gather [hbm4b:s1+s3], $0x80, v4, vm0, $0xb8;
	[tilespmem:$0x10200] =	vst v63  }
0xe4: {  	_ = 	snop  }
0xe5: {  	[tilespmem:s15], [sflag:$0x1] =	stream.indirect_vreg.gather [hbm4b:s1+s3], $0x80, v3, vm0, $0xb8;
	[tilespmem:$0x10200] =	vst v63  }
0xe6: {  	v3 =	vld [tilespmem:$0x110];
	_ =	sdelay $0x4  }
0xe7: {  	v49 =	vshll.u32 v3, $0x1  }
0xe8: {  	v3 =	vand.u32 $0x7, v3;
	v4 =	vand.u32 $0xFFFFFFF0, v49  }
0xe9: {  	v3 =	vor.u32 v3, v4  }
0xea: {  	v4 =	vperm.xlane v3, v0;
	_ =	sdelay $0x1  }
0xeb: {  	v3 =	vperm.xlane v3, v2;
	v4 =	vadd.s32 v1, v4;
	_ =	sdelay $0x1  }
0xec: {  	v3 =	vadd.s32 v1, v3;
	_ =	sdelay $0x2  }
0xed: {  	[tilespmem:s16], [sflag:$0x1] =	stream.indirect_vreg.gather [hbm4b:s1+s3], $0x80, v4, vm0, $0xb8;
	[tilespmem:$0x10200] =	vst v63  }
0xee: {  	_ = 	snop  }
0xef: {  	[tilespmem:s17], [sflag:$0x1] =	stream.indirect_vreg.gather [hbm4b:s1+s3], $0x80, v3, vm0, $0xb8;
	[tilespmem:$0x10200] =	vst v63  }
0xf0: {  	v3 =	vld [tilespmem:$0x120];
	_ =	sdelay $0x4  }
0xf1: {  	v50 =	vshll.u32 v3, $0x1  }
0xf2: {  	v3 =	vand.u32 $0x7, v3;
	v4 =	vand.u32 $0xFFFFFFF0, v50  }
0xf3: {  	v3 =	vor.u32 v3, v4  }
0xf4: {  	v4 =	vperm.xlane v3, v0;
	_ =	sdelay $0x1  }
0xf5: {  	v3 =	vperm.xlane v3, v2;
	v4 =	vadd.s32 v1, v4;
	_ =	sdelay $0x1  }
0xf6: {  	v3 =	vadd.s32 v1, v3;
	_ =	sdelay $0x2  }
0xf7: {  	[tilespmem:s18], [sflag:$0x1] =	stream.indirect_vreg.gather [hbm4b:s1+s3], $0x80, v4, vm0, $0xb8;
	[tilespmem:$0x10200] =	vst v63  }
0xf8: {  	_ = 	snop  }
0xf9: {  	[tilespmem:s19], [sflag:$0x1] =	stream.indirect_vreg.gather [hbm4b:s1+s3], $0x80, v3, vm0, $0xb8;
	[tilespmem:$0x10200] =	vst v63  }
0xfa: {  	v3 =	vld [tilespmem:$0x130];
	_ =	sdelay $0x4  }
0xfb: {  	v51 =	vshll.u32 v3, $0x1  }
0xfc: {  	v3 =	vand.u32 $0x7, v3;
	v4 =	vand.u32 $0xFFFFFFF0, v51  }
0xfd: {  	v3 =	vor.u32 v3, v4  }
0xfe: {  	v4 =	vperm.xlane v3, v0;
	_ =	sdelay $0x1  }
0xff: {  	v3 =	vperm.xlane v3, v2;
	v4 =	vadd.s32 v1, v4;
	_ =	sdelay $0x1  }
0x100: {  	v3 =	vadd.s32 v1, v3;
	_ =	sdelay $0x2  }
0x101: {  	[tilespmem:s20], [sflag:$0x1] =	stream.indirect_vreg.gather [hbm4b:s1+s3], $0x80, v4, vm0, $0xb8;
	[tilespmem:$0x10200] =	vst v63  }
0x102: {  	_ = 	snop  }
0x103: {  	[tilespmem:s21], [sflag:$0x1] =	stream.indirect_vreg.gather [hbm4b:s1+s3], $0x80, v3, vm0, $0xb8;
	[tilespmem:$0x10200] =	vst v63  }
0x104: {  	v3 =	vld [tilespmem:$0x140];
	_ =	sdelay $0x4  }
0x105: {  	v52 =	vshll.u32 v3, $0x1  }
0x106: {  	v3 =	vand.u32 $0x7, v3;
	v4 =	vand.u32 $0xFFFFFFF0, v52  }
0x107: {  	v3 =	vor.u32 v3, v4  }
0x108: {  	v4 =	vperm.xlane v3, v0;
	_ =	sdelay $0x1  }
0x109: {  	v3 =	vperm.xlane v3, v2;
	v4 =	vadd.s32 v1, v4;
	_ =	sdelay $0x1  }
0x10a: {  	v3 =	vadd.s32 v1, v3;
	_ =	sdelay $0x2  }
0x10b: {  	[tilespmem:s24], [sflag:$0x1] =	stream.indirect_vreg.gather [hbm4b:s1+s3], $0x80, v4, vm0, $0xb8;
	[tilespmem:$0x10200] =	vst v63  }
0x10c: {  	_ = 	snop  }
0x10d: {  	[tilespmem:s25], [sflag:$0x1] =	stream.indirect_vreg.gather [hbm4b:s1+s3], $0x80, v3, vm0, $0xb8;
	[tilespmem:$0x10200] =	vst v63  }
0x10e: {  	v3 =	vld [tilespmem:$0x150];
	_ =	sdelay $0x4  }
0x10f: {  	v53 =	vshll.u32 v3, $0x1  }
0x110: {  	v3 =	vand.u32 $0x7, v3;
	v4 =	vand.u32 $0xFFFFFFF0, v53  }
0x111: {  	v3 =	vor.u32 v3, v4  }
0x112: {  	v4 =	vperm.xlane v3, v0;
	_ =	sdelay $0x1  }
0x113: {  	v3 =	vperm.xlane v3, v2;
	v4 =	vadd.s32 v1, v4;
	_ =	sdelay $0x1  }
0x114: {  	v3 =	vadd.s32 v1, v3;
	_ =	sdelay $0x2  }
0x115: {  	[tilespmem:s26], [sflag:$0x1] =	stream.indirect_vreg.gather [hbm4b:s1+s3], $0x80, v4, vm0, $0xb8;
	[tilespmem:$0x10200] =	vst v63  }
0x116: {  	_ = 	snop  }
0x117: {  	[tilespmem:s28], [sflag:$0x1] =	stream.indirect_vreg.gather [hbm4b:s1+s3], $0x80, v3, vm0, $0xb8;
	[tilespmem:$0x10200] =	vst v63  }
0x118: {  	v3 =	vld [tilespmem:$0x160];
	_ =	sdelay $0x4  }
0x119: {  	v54 =	vshll.u32 v3, $0x1  }
0x11a: {  	v3 =	vand.u32 $0x7, v3;
	v4 =	vand.u32 $0xFFFFFFF0, v54  }
0x11b: {  	v3 =	vor.u32 v3, v4  }
0x11c: {  	v4 =	vperm.xlane v3, v0;
	_ =	sdelay $0x1  }
0x11d: {  	v3 =	vperm.xlane v3, v2;
	v4 =	vadd.s32 v1, v4;
	_ =	sdelay $0x1  }
0x11e: {  	v3 =	vadd.s32 v1, v3;
	_ =	sdelay $0x2  }
0x11f: {  	[tilespmem:s29], [sflag:$0x1] =	stream.indirect_vreg.gather [hbm4b:s1+s3], $0x80, v4, vm0, $0xb8;
	[tilespmem:$0x10200] =	vst v63  }
0x120: {  	_ = 	snop  }
0x121: {  	[tilespmem:s30], [sflag:$0x1] =	stream.indirect_vreg.gather [hbm4b:s1+s3], $0x80, v3, vm0, $0xb8;
	[tilespmem:$0x10200] =	vst v63  }
0x122: {  	v3 =	vld [tilespmem:$0x170];
	_ =	sdelay $0x4  }
0x123: {  	v55 =	vshll.u32 v3, $0x1  }
0x124: {  	v3 =	vand.u32 $0x7, v3;
	v4 =	vand.u32 $0xFFFFFFF0, v55  }
0x125: {  	v3 =	vor.u32 v3, v4  }
0x126: {  	v4 =	vperm.xlane v3, v0;
	_ =	sdelay $0x1  }
0x127: {  	v3 =	vperm.xlane v3, v2;
	v4 =	vadd.s32 v1, v4;
	_ =	sdelay $0x1  }
0x128: {  	v3 =	vadd.s32 v1, v3;
	_ =	sdelay $0x2  }
0x129: {  	[tilespmem:s31], [sflag:$0x1] =	stream.indirect_vreg.gather [hbm4b:s1+s3], $0x80, v4, vm0, $0xb8;
	[tilespmem:$0x10200] =	vst v63  }
0x12a: {  	_ = 	snop  }
0x12b: {  	[tilespmem:s2], [sflag:$0x1] =	stream.indirect_vreg.gather [hbm4b:s1+s3], $0x80, v3, vm0, $0xb8;
	[tilespmem:$0x10200] =	vst v63  }
0x12c: {  	_ =	swait.ge [sflag:s13], $0x8000  }
0x12d: {  	[sflag:s13] =	ssyncset.done $0x0  }
0x12e: {  	s2 =	rddreg [dreg:$0xa];
	[sflag:s13] =	ssyncadd.s32 $0xFFFF8000  }
0x12f: {  	[hbm4b:s2+s3] =	stream.linear.scatter [tilespmem:s23], [sflag:$0x3], $0x8000, $0x38;
	[tilespmem:$0x10200] =	vst v63  }
0x130: {  	_ =	swait.ge [sflag:s5], $0x8000  }
0x131: {  	[sflag:s5] =	ssyncset.done $0x0  }
0x132: {  	[sflag:s5] =	ssyncadd.s32 $0xFFFF8000  }
0x133: {  	v3 =	vld [tilespmem:$0x180];
	_ =	sdelay $0x4  }
0x134: {  	v56 =	vshll.u32 v3, $0x1  }
0x135: {  	v3 =	vand.u32 $0x7, v3;
	v4 =	vand.u32 $0xFFFFFFF0, v56  }
0x136: {  	v3 =	vor.u32 v3, v4  }
0x137: {  	v4 =	vperm.xlane v3, v0;
	_ =	sdelay $0x1  }
0x138: {  	v3 =	vperm.xlane v3, v2;
	v4 =	vadd.s32 v1, v4;
	_ =	sdelay $0x1  }
0x139: {  	v3 =	vadd.s32 v1, v3;
	_ =	sdelay $0x2  }
0x13a: {  	[tilespmem:s22], [sflag:$0x2] =	stream.indirect_vreg.gather [hbm4b:s1+s3], $0x80, v4, vm0, $0xb8;
	[tilespmem:$0x10200] =	vst v63  }
0x13b: {  	s15 =	simm.s32 $0x8A00  }
0x13c: {  	[tilespmem:s15], [sflag:$0x2] =	stream.indirect_vreg.gather [hbm4b:s1+s3], $0x80, v3, vm0, $0xb8;
	[tilespmem:$0x10200] =	vst v63  }
0x13d: {  	v3 =	vld [tilespmem:$0x190];
	_ =	sdelay $0x4  }
0x13e: {  	v57 =	vshll.u32 v3, $0x1  }
0x13f: {  	v3 =	vand.u32 $0x7, v3;
	v4 =	vand.u32 $0xFFFFFFF0, v57  }
0x140: {  	v3 =	vor.u32 v3, v4  }
0x141: {  	v4 =	vperm.xlane v3, v0;
	_ =	sdelay $0x1  }
0x142: {  	v3 =	vperm.xlane v3, v2;
	v4 =	vadd.s32 v1, v4;
	_ =	sdelay $0x1  }
0x143: {  	v3 =	vadd.s32 v1, v3;
	_ =	sdelay $0x2  }
0x144: {  	[tilespmem:s7], [sflag:$0x2] =	stream.indirect_vreg.gather [hbm4b:s1+s3], $0x80, v4, vm0, $0xb8;
	[tilespmem:$0x10200] =	vst v63  }
0x145: {  	_ = 	snop  }
0x146: {  	[tilespmem:s8], [sflag:$0x2] =	stream.indirect_vreg.gather [hbm4b:s1+s3], $0x80, v3, vm0, $0xb8;
	[tilespmem:$0x10200] =	vst v63  }
0x147: {  	v3 =	vld [tilespmem:$0x1A0];
	_ =	sdelay $0x4  }
0x148: {  	v58 =	vshll.u32 v3, $0x1  }
0x149: {  	v3 =	vand.u32 $0x7, v3;
	v4 =	vand.u32 $0xFFFFFFF0, v58  }
0x14a: {  	v3 =	vor.u32 v3, v4  }
0x14b: {  	v4 =	vperm.xlane v3, v0;
	_ =	sdelay $0x1  }
0x14c: {  	v3 =	vperm.xlane v3, v2;
	v4 =	vadd.s32 v1, v4;
	_ =	sdelay $0x1  }
0x14d: {  	v3 =	vadd.s32 v1, v3;
	_ =	sdelay $0x2  }
0x14e: {  	[tilespmem:s9], [sflag:$0x2] =	stream.indirect_vreg.gather [hbm4b:s1+s3], $0x80, v4, vm0, $0xb8;
	[tilespmem:$0x10200] =	vst v63  }
0x14f: {  	_ = 	snop  }
0x150: {  	[tilespmem:s10], [sflag:$0x2] =	stream.indirect_vreg.gather [hbm4b:s1+s3], $0x80, v3, vm0, $0xb8;
	[tilespmem:$0x10200] =	vst v63  }
0x151: {  	v3 =	vld [tilespmem:$0x1B0];
	_ =	sdelay $0x4  }
0x152: {  	v59 =	vshll.u32 v3, $0x1  }
0x153: {  	v3 =	vand.u32 $0x7, v3;
	v4 =	vand.u32 $0xFFFFFFF0, v59  }
0x154: {  	v3 =	vor.u32 v3, v4  }
0x155: {  	v4 =	vperm.xlane v3, v0;
	_ =	sdelay $0x1  }
0x156: {  	v3 =	vperm.xlane v3, v2;
	v4 =	vadd.s32 v1, v4;
	_ =	sdelay $0x1  }
0x157: {  	v3 =	vadd.s32 v1, v3;
	_ =	sdelay $0x2  }
0x158: {  	[tilespmem:s11], [sflag:$0x2] =	stream.indirect_vreg.gather [hbm4b:s1+s3], $0x80, v4, vm0, $0xb8;
	[tilespmem:$0x10200] =	vst v63  }
0x159: {  	_ = 	snop  }
0x15a: {  	[tilespmem:s12], [sflag:$0x2] =	stream.indirect_vreg.gather [hbm4b:s1+s3], $0x80, v3, vm0, $0xb8;
	[tilespmem:$0x10200] =	vst v63  }
0x15b: {  	v3 =	vld [tilespmem:$0x1C0];
	_ =	sdelay $0x4  }
0x15c: {  	v60 =	vshll.u32 v3, $0x1  }
0x15d: {  	v3 =	vand.u32 $0x7, v3;
	v4 =	vand.u32 $0xFFFFFFF0, v60  }
0x15e: {  	v3 =	vor.u32 v3, v4  }
0x15f: {  	v4 =	vperm.xlane v3, v0;
	_ =	sdelay $0x1  }
0x160: {  	v3 =	vperm.xlane v3, v2;
	v4 =	vadd.s32 v1, v4;
	_ =	sdelay $0x1  }
0x161: {  	v3 =	vadd.s32 v1, v3;
	_ =	sdelay $0x2  }
0x162: {  	[tilespmem:s6], [sflag:$0x2] =	stream.indirect_vreg.gather [hbm4b:s1+s3], $0x80, v4, vm0, $0xb8;
	[tilespmem:$0x10200] =	vst v63  }
0x163: {  	s14 =	simm.s32 $0xCA00  }
0x164: {  	[tilespmem:s14], [sflag:$0x2] =	stream.indirect_vreg.gather [hbm4b:s1+s3], $0x80, v3, vm0, $0xb8;
	[tilespmem:$0x10200] =	vst v63  }
0x165: {  	v3 =	vld [tilespmem:$0x1D0];
	_ =	sdelay $0x4  }
0x166: {  	v61 =	vshll.u32 v3, $0x1  }
0x167: {  	v3 =	vand.u32 $0x7, v3;
	v4 =	vand.u32 $0xFFFFFFF0, v61  }
0x168: {  	v3 =	vor.u32 v3, v4  }
0x169: {  	v4 =	vperm.xlane v3, v0;
	_ =	sdelay $0x1  }
0x16a: {  	v3 =	vperm.xlane v3, v2;
	v4 =	vadd.s32 v1, v4;
	_ =	sdelay $0x1  }
0x16b: {  	v3 =	vadd.s32 v1, v3;
	_ =	sdelay $0x1  }
0x16c: {  	s15 =	simm.s32 $0xD200  }
0x16d: {  	[tilespmem:s15], [sflag:$0x2] =	stream.indirect_vreg.gather [hbm4b:s1+s3], $0x80, v4, vm0, $0xb8;
	[tilespmem:$0x10200] =	vst v63  }
0x16e: {  	s14 =	simm.s32 $0xDA00  }
0x16f: {  	[tilespmem:s14], [sflag:$0x2] =	stream.indirect_vreg.gather [hbm4b:s1+s3], $0x80, v3, vm0, $0xb8;
	[tilespmem:$0x10200] =	vst v63  }
0x170: {  	v3 =	vld [tilespmem:$0x1E0];
	_ =	sdelay $0x4  }
0x171: {  	v62 =	vshll.u32 v3, $0x1  }
0x172: {  	v3 =	vand.u32 $0x7, v3;
	v4 =	vand.u32 $0xFFFFFFF0, v62  }
0x173: {  	v3 =	vor.u32 v3, v4  }
0x174: {  	v4 =	vperm.xlane v3, v0;
	_ =	sdelay $0x1  }
0x175: {  	v3 =	vperm.xlane v3, v2;
	v4 =	vadd.s32 v1, v4;
	_ =	sdelay $0x1  }
0x176: {  	v3 =	vadd.s32 v1, v3;
	_ =	sdelay $0x1  }
0x177: {  	s15 =	simm.s32 $0xE200  }
0x178: {  	[tilespmem:s15], [sflag:$0x2] =	stream.indirect_vreg.gather [hbm4b:s1+s3], $0x80, v4, vm0, $0xb8;
	[tilespmem:$0x10200] =	vst v63  }
0x179: {  	s14 =	simm.s32 $0xEA00  }
0x17a: {  	[tilespmem:s14], [sflag:$0x2] =	stream.indirect_vreg.gather [hbm4b:s1+s3], $0x80, v3, vm0, $0xb8;
	[tilespmem:$0x10200] =	vst v63  }
0x17b: {  	v3 =	vld [tilespmem:$0x1F0];
	_ =	sdelay $0x4  }
0x17c: {  	v63 =	vshll.u32 v3, $0x1  }
0x17d: {  	v3 =	vand.u32 $0x7, v3;
	v4 =	vand.u32 $0xFFFFFFF0, v63  }
0x17e: {  	v3 =	vor.u32 v3, v4  }
0x17f: {  	v4 =	vperm.xlane v3, v0;
	_ =	sdelay $0x1  }
0x180: {  	v3 =	vperm.xlane v3, v2;
	v4 =	vadd.s32 v1, v4;
	_ =	sdelay $0x1  }
0x181: {  	v3 =	vadd.s32 v1, v3;
	_ =	sdelay $0x1  }
0x182: {  	s15 =	simm.s32 $0xF200  }
0x183: {  	[tilespmem:s15], [sflag:$0x2] =	stream.indirect_vreg.gather [hbm4b:s1+s3], $0x80, v4, vm0, $0xb8;
	[tilespmem:$0x10200] =	vst v63  }
0x184: {  	s14 =	simm.s32 $0xFA00  }
0x185: {  	[tilespmem:s14], [sflag:$0x2] =	stream.indirect_vreg.gather [hbm4b:s1+s3], $0x80, v3, vm0, $0xb8;
	[tilespmem:$0x10200] =	vst v63  }
0x186: {  	_ =	swait.ge [sflag:s0], $0x8000  }
0x187: {  	p0 =	sne.s32 s4, $0x1;
	[sflag:s0] =	ssyncset.done $0x0  }
.Ltmp0:
0x188: {  	s15 =	rddreg [dreg:$0xb];
	[sflag:s0] =	ssyncadd.s32 $0xFFFF8000;
	(pc) =	sbr.rel @p0 .LBB2_1-.Ltmp0, $4  }
0x189: {  	[hbm4b:s15+s3] =	stream.linear.scatter [tilespmem:s22], [sflag:$0x3], $0x8000, $0x38;
	[tilespmem:$0x10200] =	vst v63  }
0x18a: {  	_ =	swait.ge [sflag:s5], $0x8000  }
0x18b: {  	[sflag:s5] =	ssyncset.done $0x0  }
0x18c: {  	s4 =	sadd.s32 $0xFFFFFFFF, s4;
	[sflag:s5] =	ssyncadd.s32 $0xFFFF8000  }
0x18d: {  	_ =	sfence.sel $0x180000  }
0x18e: {  	[bflag:$0x0] =	sbarrier.arrive $0xFFFF  }
0x18f: {  	_ =	strace $0x90000047  }
0x190: {  	s0 =	stileid.u32;
	[bflag:$0x2] =	sbarrier.arrive $0xFFFF  }
0x191: {  	p0 =	sne.s32 s0, $0x0;
	s0 =	rddreg [dreg:$0x3]  }
0x192: {  	s0 =	sadd.s32 @!p0 $0x100000, s0  }
0x193: {  	[sflag:s0] =	ssyncadd.tile.s32 @!p0 $0x1;
	_ =	shalt  }
.Lfunc_end2:
_tile_overlayer_lowered:
.L_overlay_start_2:
0x194: {  	(tag) =	ssettag $0x2  }
0x195: {  	s0 =	rddreg [dreg:$0x0];
	s2 =	stileid.u32  }
0x196: {  	s1 =	rddreg [dreg:$0x1];
	p0 =	sne.s32 s2, $0x0  }
0x197: {  	s3 =	rddreg [dreg:$0x2];
	[bflag:$0x3] =	sbarrier.arrive $0xFFFF;
	s2 =	simm.s32 @!p0 $0x1C03  }
0x198: {  	[timem:s3], [sflag:s2] =	dma.local @!p0 [hbm:s0], s1  }
0x199: {  	s0 =	simm.s32 @!p0 $0x3  }
0x19a: {  	_ =	swait.ge @!p0 [sflag:s0], s1  }
0x19b: {  	s1 =	ssub.s32 @!p0 $0x0, s1;
	[sflag:s0] =	ssyncset.done @!p0 $0x0  }
0x19c: {  	[sflag:s0] =	ssyncadd.s32 @!p0 s1  }
0x19d: {  	[bflag:$0x3] =	sbarrier.arrive $0xFFFF  }
0x19e: {  	_ =	shalt  }

</sc_bundles>
